<compile_context>
chip_gen: v7x
topology: tpu7x:2x2x1
jax: 0.10.2.dev20260603
libtpu: 0.0.44.dev20260713+nightly
codegen_flags: <defaults>
</compile_context>

<pallas_src>
import functools

import jax
import jax.numpy as jnp
from jax import lax
from jax.experimental import pallas as pl
from jax.experimental.pallas import tpu as pltpu
from jax.experimental.pallas import tpu_sc as plsc

B, C, N, K = 16, 384, 196, 9
CO = 384
CH = CO // 2
LANES = 16
CU = 4
NBLK = 13


def _mm_body(w_ref, x_ref, bias_ref, o_ref):
    y = lax.dot_general(w_ref[...], x_ref[0], (((1,), (0,)), ((), ())),
                        preferred_element_type=jnp.float32)
    o_ref[0] = y + bias_ref[...]


def _tc_matmul(wstack, x2, bias2):
    return pl.pallas_call(
        _mm_body,
        grid=(B,),
        in_specs=[
            pl.BlockSpec((2 * CO, C), lambda i: (0, 0)),
            pl.BlockSpec((1, C, N), lambda i: (i, 0, 0)),
            pl.BlockSpec((2 * CO, 1), lambda i: (0, 0)),
        ],
        out_specs=pl.BlockSpec((1, 2 * CO, N), lambda i: (i, 0, 0)),
        out_shape=jax.ShapeDtypeStruct((B, 2 * CO, N), jnp.float32),
    )(wstack, x2, bias2)


def _sc_body(table_hbm, idx_hbm, out_hbm, slab, idx_v, out_v):
    wid = lax.axis_index("s") * 2 + lax.axis_index("c")
    b = wid // 2
    h = wid % 2

    pltpu.sync_copy(table_hbm.at[b, pl.ds(h * CH, CH)],
                    slab.at[pl.ds(0, CH)])
    pltpu.sync_copy(table_hbm.at[b, pl.ds(CO + h * CH, CH)],
                    slab.at[pl.ds(CH, CH)])
    pltpu.sync_copy(idx_hbm.at[b], idx_v)

    def blk_body(t, _):
        n0 = t * LANES - (t // (NBLK - 1)) * (NBLK * LANES - N)
        ii = [idx_v[k, pl.ds(n0, LANES)] for k in range(K)]
        jj = [idx_v[K + k, pl.ds(n0, LANES)] for k in range(K)]

        def c_body(cc, _):
            for un in range(CU):
                c = cc * CU + un
                ru = jnp.broadcast_to(c, (LANES,))
                rv = jnp.broadcast_to(c + CH, (LANES,))
                acc = (plsc.load_gather(slab, [ru, ii[0]])
                       + plsc.load_gather(slab, [rv, jj[0]]))
                for k in range(1, K):
                    acc = jnp.maximum(
                        acc,
                        plsc.load_gather(slab, [ru, ii[k]])
                        + plsc.load_gather(slab, [rv, jj[k]]))
                out_v[c, pl.ds(n0, LANES)] = jnp.maximum(acc, 0.0)
            return 0

        lax.fori_loop(0, CH // CU, c_body, 0)
        return 0

    lax.fori_loop(0, NBLK, blk_body, 0)

    pltpu.sync_copy(out_v, out_hbm.at[b, pl.ds(h * CH, CH)])


_sc_gather = functools.partial(
    pl.kernel,
    out_type=jax.ShapeDtypeStruct((B, CO, N), jnp.float32),
    mesh=plsc.VectorSubcoreMesh(core_axis_name="c", subcore_axis_name="s",
                                num_cores=2, num_subcores=16),
    compiler_params=pltpu.CompilerParams(use_tc_tiling_on_sc=False,
                                         needs_layout_passes=False),
    scratch_types=[
        pltpu.VMEM((2 * CH, N), jnp.float32),
        pltpu.VMEM((2 * K, N), jnp.int32),
        pltpu.VMEM((CH, N), jnp.float32),
    ],
)(_sc_body)


def kernel(x, edge_index, W, b):
    x2 = x[..., 0]
    W1 = W[:, :C]
    W2 = W[:, C:]
    wstack = jnp.concatenate([W1 - W2, W2], axis=0)
    bias2 = jnp.concatenate([b, jnp.zeros((CO,), jnp.float32)])[:, None]

    table = _tc_matmul(wstack, x2, bias2)

    e = edge_index.astype(jnp.int32)
    idx = jnp.concatenate(
        [jnp.swapaxes(e[1], 1, 2), jnp.swapaxes(e[0], 1, 2)], axis=1)

    out = _sc_gather(table, idx)
    return out[..., None]

# --- scband reference (transcript-rebuilt; emitter-appended) ---
"""Pipeline reference for scband-graph-conv2d-70068096467623 (READ-ONLY COPY).

The authoritative reference and input builder live on the scoring server;
editing this copy changes nothing except your own understanding.
"""

import jax, jax.numpy as jnp
import numpy as np

B, C, N, K = 16, 384, 196, 9
C_OUT = 384

def batched_index_select(x, idx):
    # x: [B, C, N, 1], idx: [B, N, K] -> [B, C, N, K]
    b, c, n, _ = x.shape
    k = idx.shape[-1]
    x2 = x[..., 0]  # [B, C, N]
    idxf = idx.reshape(b, 1, n * k).astype(jnp.int32)
    idxf = jnp.broadcast_to(idxf, (b, c, n * k))
    g = jnp.take_along_axis(x2, idxf, axis=2)
    return g.reshape(b, c, n, k)

def setup_inputs(seed: int = 0) -> dict:
    key = jax.random.key(seed)
    k1, k2, k3, k4 = jax.random.split(key, 4)
    x = jax.random.normal(k1, (B, C, N, 1), dtype=jnp.float32)
    edge_index = jax.random.randint(k2, (2, B, N, K), 0, N).astype(jnp.int64)
    # BasicConv([2C, C_out]) = Conv2d(2C, C_out, kernel=1, bias=True) + ReLU
    fan_in = 2 * C
    bound = 1.0 / np.sqrt(fan_in)
    W = jax.random.uniform(k3, (C_OUT, 2 * C), dtype=jnp.float32, minval=-bound, maxval=bound)
    b = jax.random.uniform(k4, (C_OUT,), dtype=jnp.float32, minval=-bound, maxval=bound)
    return {"x": x, "edge_index": edge_index, "W": W, "b": b}

def reference(x, edge_index, W, b):
    # EdgeConv2d forward (conv='edge', y=None)
    x_i = batched_index_select(x, edge_index[1])  # [B, C, N, K]
    x_j = batched_index_select(x, edge_index[0])  # [B, C, N, K]
    feat = jnp.concatenate([x_i, x_j - x_i], axis=1)  # [B, 2C, N, K]
    out = jnp.einsum('oc,bcnk->bonk', W, feat) + b[None, :, None, None]
    out = jax.nn.relu(out)
    max_value = jnp.max(out, axis=-1, keepdims=True)  # [B, C_out, N, 1]
    return max_value

if __name__ == "__main__":
    import jax
    _d = setup_inputs()
    print(jax.jit(kernel)(*tuple(_d.values())))

</pallas_src>

<mosaic_0001>
#map = affine_map<(d0, d1) -> (0, 0, 0)>
module attributes {stable_mosaic.version = 14 : i64} {
  func.func @_sc_body(%arg0: i32, %arg1: i32, %arg2: memref<16x768x196xf32, #tpu.memory_space<hbm>>, %arg3: memref<16x18x196xi32, #tpu.memory_space<hbm>>, %arg4: memref<16x384x196xf32, #tpu.memory_space<hbm>>, %arg5: memref<384x196xf32, #tpu.memory_space<vmem>>, %arg6: memref<18x196xi32, #tpu.memory_space<vmem>>, %arg7: memref<192x196xf32, #tpu.memory_space<vmem>>) attributes {dimension_semantics = [#tpu.dimension_semantics<core_parallel>, #tpu.dimension_semantics<subcore_parallel>], iteration_bounds = array<i64: 2, 16>, scalar_prefetch = 0 : i64, scratch_operands = 3 : i64, tpu.core_type = #tpu.core_type<sc_vector_subcore>, window_params = [{transform_indices = #map}, {transform_indices = #map}, {transform_indices = #map}]} {
    %mul3A = arith.constant 2 : i32
    %mul3A_0 = arith.muli %arg1, %mul3A : i32
    %add3A = arith.addi %mul3A_0, %arg0 : i32
    %jit3A = arith.constant 2 : i32
    %div3A = arith.divsi %add3A, %jit3A : i32
    %sign3A = arith.constant 0 : i32
    %sign3A_1 = arith.cmpi sgt, %add3A, %sign3A : i32
    %sign3A_2 = arith.extui %sign3A_1 : i1 to i32
    %sign3A_3 = arith.constant 0 : i32
    %sign3A_4 = arith.cmpi slt, %add3A, %sign3A_3 : i32
    %sign3A_5 = arith.extui %sign3A_4 : i1 to i32
    %sign3A_6 = arith.subi %sign3A_2, %sign3A_5 : i32
    %sign3A_7 = arith.constant 0 : i32
    %sign3A_8 = arith.cmpi sgt, %jit3A, %sign3A_7 : i32
    %sign3A_9 = arith.extui %sign3A_8 : i1 to i32
    %sign3A_10 = arith.constant 0 : i32
    %sign3A_11 = arith.cmpi slt, %jit3A, %sign3A_10 : i32
    %sign3A_12 = arith.extui %sign3A_11 : i1 to i32
    %sign3A_13 = arith.subi %sign3A_9, %sign3A_12 : i32
    %ne3A = arith.cmpi ne, %sign3A_6, %sign3A_13 : i32
    %rem3A = arith.remsi %add3A, %jit3A : i32
    %ne3A_14 = arith.constant 0 : i32
    %ne3A_15 = arith.cmpi ne, %rem3A, %ne3A_14 : i32
    %and3A = arith.andi %ne3A, %ne3A_15 : i1
    %sub3A = arith.constant 1 : i32
    %sub3A_16 = arith.subi %div3A, %sub3A : i32
    %select_n3A = arith.select %and3A, %sub3A_16, %div3A : i32
    %jit3A_17 = arith.constant 2 : i32
    %eq3A = arith.constant 0 : i32
    %eq3A_18 = arith.cmpi eq, %jit3A_17, %eq3A : i32
    %jit3A_19 = arith.constant 1 : i32
    %select_n3A_20 = arith.select %eq3A_18, %jit3A_19, %jit3A_17 : i32
    %rem3A_21 = arith.remsi %add3A, %select_n3A_20 : i32
    %ne3A_22 = arith.constant 0 : i32
    %ne3A_23 = arith.cmpi ne, %rem3A_21, %ne3A_22 : i32
    %lt3A = arith.constant 0 : i32
    %lt3A_24 = arith.cmpi slt, %rem3A_21, %lt3A : i32
    %lt3A_25 = arith.constant 0 : i32
    %lt3A_26 = arith.cmpi slt, %select_n3A_20, %lt3A_25 : i32
    %ne3A_27 = arith.xori %lt3A_24, %lt3A_26 : i1
    %and3A_28 = arith.andi %ne3A_27, %ne3A_23 : i1
    %add3A_29 = arith.addi %rem3A_21, %select_n3A_20 : i32
    %select_n3A_30 = arith.select %and3A_28, %add3A_29, %rem3A_21 : i32
    %mul3A_31 = arith.constant 192 : i32
    %mul3A_32 = arith.muli %select_n3A_30, %mul3A_31 : i32
    "tpu.region"() ({
      %run_scoped3A = tpu.sem_alloc : memref<!tpu.dma_semaphore, #tpu.memory_space<semaphore_mem>>
      %dma_start3A = arith.constant 0 : i32
      %dma_start3A_45 = arith.constant 0 : i32
      %dma_start3A_46 = tpu.memref_slice %arg5[%dma_start3A, %dma_start3A_45] : memref<384x196xf32, #tpu.memory_space<vmem>> -> memref<192x196xf32, #tpu.memory_space<vmem>>
      %dma_start3A_47 = arith.constant 0 : i32
      %dma_start3A_48 = tpu.memref_slice %arg2[%select_n3A, %mul3A_32, %dma_start3A_47] : memref<16x768x196xf32, #tpu.memory_space<hbm>> -> memref<1x192x196xf32, #tpu.memory_space<hbm>>
      %dma_start3A_49 = tpu.memref_squeeze %dma_start3A_48 : memref<1x192x196xf32, #tpu.memory_space<hbm>> -> memref<192x196xf32, #tpu.memory_space<hbm>>
      %dma_start3A_50 = arith.constant 0 : i32
      %dma_start3A_51 = arith.constant 0 : i32
      %dma_start3A_52 = tpu.memref_slice %arg5[%dma_start3A_50, %dma_start3A_51] : memref<384x196xf32, #tpu.memory_space<vmem>> -> memref<192x196xf32, #tpu.memory_space<vmem>>
      %dma_start3A_53 = arith.constant 0 : i32
      %dma_start3A_54 = tpu.memref_slice %arg2[%select_n3A, %mul3A_32, %dma_start3A_53] : memref<16x768x196xf32, #tpu.memory_space<hbm>> -> memref<1x192x196xf32, #tpu.memory_space<hbm>>
      %dma_start3A_55 = tpu.memref_squeeze %dma_start3A_54 : memref<1x192x196xf32, #tpu.memory_space<hbm>> -> memref<192x196xf32, #tpu.memory_space<hbm>>
      tpu.enqueue_dma source(%dma_start3A_55 : memref<192x196xf32, #tpu.memory_space<hbm>>) target(%dma_start3A_52 : memref<192x196xf32, #tpu.memory_space<vmem>>) target_semaphore(%run_scoped3A : memref<!tpu.dma_semaphore, #tpu.memory_space<semaphore_mem>>)
      %dma_wait3A = arith.constant 0 : i32
      %dma_wait3A_56 = arith.constant 0 : i32
      %dma_wait3A_57 = tpu.memref_slice %arg5[%dma_wait3A, %dma_wait3A_56] : memref<384x196xf32, #tpu.memory_space<vmem>> -> memref<192x196xf32, #tpu.memory_space<vmem>>
      %dma_wait3A_58 = arith.constant 0 : i32
      %dma_wait3A_59 = tpu.memref_slice %arg2[%select_n3A, %mul3A_32, %dma_wait3A_58] : memref<16x768x196xf32, #tpu.memory_space<hbm>> -> memref<1x192x196xf32, #tpu.memory_space<hbm>>
      %dma_wait3A_60 = tpu.memref_squeeze %dma_wait3A_59 : memref<1x192x196xf32, #tpu.memory_space<hbm>> -> memref<192x196xf32, #tpu.memory_space<hbm>>
      %dma_wait3A_61 = arith.constant 0 : i32
      %dma_wait3A_62 = arith.constant 0 : i32
      %dma_wait3A_63 = tpu.memref_slice %arg5[%dma_wait3A_61, %dma_wait3A_62] : memref<384x196xf32, #tpu.memory_space<vmem>> -> memref<192x196xf32, #tpu.memory_space<vmem>>
      %dma_wait3A_64 = arith.constant 0 : i32
      %dma_wait3A_65 = tpu.memref_slice %arg2[%select_n3A, %mul3A_32, %dma_wait3A_64] : memref<16x768x196xf32, #tpu.memory_space<hbm>> -> memref<1x192x196xf32, #tpu.memory_space<hbm>>
      %dma_wait3A_66 = tpu.memref_squeeze %dma_wait3A_65 : memref<1x192x196xf32, #tpu.memory_space<hbm>> -> memref<192x196xf32, #tpu.memory_space<hbm>>
      tpu.wait_dma2 semaphore(%run_scoped3A : memref<!tpu.dma_semaphore, #tpu.memory_space<semaphore_mem>>) src(%dma_wait3A_66 : memref<192x196xf32, #tpu.memory_space<hbm>>) dst(%dma_wait3A_63 : memref<192x196xf32, #tpu.memory_space<vmem>>)
      tpu.yield
    }) : () -> ()
    %mul3A_33 = arith.constant 192 : i32
    %mul3A_34 = arith.muli %select_n3A_30, %mul3A_33 : i32
    %add3A_35 = arith.constant 384 : i32
    %add3A_36 = arith.addi %add3A_35, %mul3A_34 : i32
    "tpu.region"() ({
      %run_scoped3A = tpu.sem_alloc : memref<!tpu.dma_semaphore, #tpu.memory_space<semaphore_mem>>
      %dma_start3A = arith.constant 192 : i32
      %dma_start3A_45 = arith.constant 0 : i32
      %dma_start3A_46 = tpu.memref_slice %arg5[%dma_start3A, %dma_start3A_45] : memref<384x196xf32, #tpu.memory_space<vmem>> -> memref<192x196xf32, #tpu.memory_space<vmem>>
      %dma_start3A_47 = arith.constant 0 : i32
      %dma_start3A_48 = tpu.memref_slice %arg2[%select_n3A, %add3A_36, %dma_start3A_47] : memref<16x768x196xf32, #tpu.memory_space<hbm>> -> memref<1x192x196xf32, #tpu.memory_space<hbm>>
      %dma_start3A_49 = tpu.memref_squeeze %dma_start3A_48 : memref<1x192x196xf32, #tpu.memory_space<hbm>> -> memref<192x196xf32, #tpu.memory_space<hbm>>
      %dma_start3A_50 = arith.constant 192 : i32
      %dma_start3A_51 = arith.constant 0 : i32
      %dma_start3A_52 = tpu.memref_slice %arg5[%dma_start3A_50, %dma_start3A_51] : memref<384x196xf32, #tpu.memory_space<vmem>> -> memref<192x196xf32, #tpu.memory_space<vmem>>
      %dma_start3A_53 = arith.constant 0 : i32
      %dma_start3A_54 = tpu.memref_slice %arg2[%select_n3A, %add3A_36, %dma_start3A_53] : memref<16x768x196xf32, #tpu.memory_space<hbm>> -> memref<1x192x196xf32, #tpu.memory_space<hbm>>
      %dma_start3A_55 = tpu.memref_squeeze %dma_start3A_54 : memref<1x192x196xf32, #tpu.memory_space<hbm>> -> memref<192x196xf32, #tpu.memory_space<hbm>>
      tpu.enqueue_dma source(%dma_start3A_55 : memref<192x196xf32, #tpu.memory_space<hbm>>) target(%dma_start3A_52 : memref<192x196xf32, #tpu.memory_space<vmem>>) target_semaphore(%run_scoped3A : memref<!tpu.dma_semaphore, #tpu.memory_space<semaphore_mem>>)
      %dma_wait3A = arith.constant 192 : i32
      %dma_wait3A_56 = arith.constant 0 : i32
      %dma_wait3A_57 = tpu.memref_slice %arg5[%dma_wait3A, %dma_wait3A_56] : memref<384x196xf32, #tpu.memory_space<vmem>> -> memref<192x196xf32, #tpu.memory_space<vmem>>
      %dma_wait3A_58 = arith.constant 0 : i32
      %dma_wait3A_59 = tpu.memref_slice %arg2[%select_n3A, %add3A_36, %dma_wait3A_58] : memref<16x768x196xf32, #tpu.memory_space<hbm>> -> memref<1x192x196xf32, #tpu.memory_space<hbm>>
      %dma_wait3A_60 = tpu.memref_squeeze %dma_wait3A_59 : memref<1x192x196xf32, #tpu.memory_space<hbm>> -> memref<192x196xf32, #tpu.memory_space<hbm>>
      %dma_wait3A_61 = arith.constant 192 : i32
      %dma_wait3A_62 = arith.constant 0 : i32
      %dma_wait3A_63 = tpu.memref_slice %arg5[%dma_wait3A_61, %dma_wait3A_62] : memref<384x196xf32, #tpu.memory_space<vmem>> -> memref<192x196xf32, #tpu.memory_space<vmem>>
      %dma_wait3A_64 = arith.constant 0 : i32
      %dma_wait3A_65 = tpu.memref_slice %arg2[%select_n3A, %add3A_36, %dma_wait3A_64] : memref<16x768x196xf32, #tpu.memory_space<hbm>> -> memref<1x192x196xf32, #tpu.memory_space<hbm>>
      %dma_wait3A_66 = tpu.memref_squeeze %dma_wait3A_65 : memref<1x192x196xf32, #tpu.memory_space<hbm>> -> memref<192x196xf32, #tpu.memory_space<hbm>>
      tpu.wait_dma2 semaphore(%run_scoped3A : memref<!tpu.dma_semaphore, #tpu.memory_space<semaphore_mem>>) src(%dma_wait3A_66 : memref<192x196xf32, #tpu.memory_space<hbm>>) dst(%dma_wait3A_63 : memref<192x196xf32, #tpu.memory_space<vmem>>)
      tpu.yield
    }) : () -> ()
    "tpu.region"() ({
      %run_scoped3A = tpu.sem_alloc : memref<!tpu.dma_semaphore, #tpu.memory_space<semaphore_mem>>
      %dma_start3A = arith.constant 0 : i32
      %dma_start3A_45 = arith.constant 0 : i32
      %dma_start3A_46 = tpu.memref_slice %arg3[%select_n3A, %dma_start3A, %dma_start3A_45] : memref<16x18x196xi32, #tpu.memory_space<hbm>> -> memref<1x18x196xi32, #tpu.memory_space<hbm>>
      %dma_start3A_47 = tpu.memref_squeeze %dma_start3A_46 : memref<1x18x196xi32, #tpu.memory_space<hbm>> -> memref<18x196xi32, #tpu.memory_space<hbm>>
      %dma_start3A_48 = arith.constant 0 : i32
      %dma_start3A_49 = arith.constant 0 : i32
      %dma_start3A_50 = tpu.memref_slice %arg3[%select_n3A, %dma_start3A_48, %dma_start3A_49] : memref<16x18x196xi32, #tpu.memory_space<hbm>> -> memref<1x18x196xi32, #tpu.memory_space<hbm>>
      %dma_start3A_51 = tpu.memref_squeeze %dma_start3A_50 : memref<1x18x196xi32, #tpu.memory_space<hbm>> -> memref<18x196xi32, #tpu.memory_space<hbm>>
      tpu.enqueue_dma source(%dma_start3A_51 : memref<18x196xi32, #tpu.memory_space<hbm>>) target(%arg6 : memref<18x196xi32, #tpu.memory_space<vmem>>) target_semaphore(%run_scoped3A : memref<!tpu.dma_semaphore, #tpu.memory_space<semaphore_mem>>)
      %dma_wait3A = arith.constant 0 : i32
      %dma_wait3A_52 = arith.constant 0 : i32
      %dma_wait3A_53 = tpu.memref_slice %arg3[%select_n3A, %dma_wait3A, %dma_wait3A_52] : memref<16x18x196xi32, #tpu.memory_space<hbm>> -> memref<1x18x196xi32, #tpu.memory_space<hbm>>
      %dma_wait3A_54 = tpu.memref_squeeze %dma_wait3A_53 : memref<1x18x196xi32, #tpu.memory_space<hbm>> -> memref<18x196xi32, #tpu.memory_space<hbm>>
      %dma_wait3A_55 = arith.constant 0 : i32
      %dma_wait3A_56 = arith.constant 0 : i32
      %dma_wait3A_57 = tpu.memref_slice %arg3[%select_n3A, %dma_wait3A_55, %dma_wait3A_56] : memref<16x18x196xi32, #tpu.memory_space<hbm>> -> memref<1x18x196xi32, #tpu.memory_space<hbm>>
      %dma_wait3A_58 = tpu.memref_squeeze %dma_wait3A_57 : memref<1x18x196xi32, #tpu.memory_space<hbm>> -> memref<18x196xi32, #tpu.memory_space<hbm>>
      tpu.wait_dma2 semaphore(%run_scoped3A : memref<!tpu.dma_semaphore, #tpu.memory_space<semaphore_mem>>) src(%dma_wait3A_58 : memref<18x196xi32, #tpu.memory_space<hbm>>) dst(%arg6 : memref<18x196xi32, #tpu.memory_space<vmem>>)
      tpu.yield
    }) : () -> ()
    %scan3A = arith.constant 0 : i32
    %scan3A_37 = arith.constant 0 : i32
    %scan3A_38 = arith.constant 13 : i32
    %scan3A_39 = arith.addi %scan3A_37, %scan3A_38 : i32
    %scan3A_40 = arith.constant 1 : i32
    %scan3A_41 = scf.for %scan3A_45 = %scan3A_37 to %scan3A_39 step %scan3A_40 iter_args(%scan3A_46 = %scan3A) -> (i32)  : i32 {
      %mul3A_47 = arith.constant 16 : i32
      %mul3A_48 = arith.muli %scan3A_45, %mul3A_47 : i32
      %jit3A_49 = arith.constant 12 : i32
      %div3A_50 = arith.divsi %scan3A_45, %jit3A_49 : i32
      %sign3A_51 = arith.constant 0 : i32
      %sign3A_52 = arith.cmpi sgt, %scan3A_45, %sign3A_51 : i32
      %sign3A_53 = arith.extui %sign3A_52 : i1 to i32
      %sign3A_54 = arith.constant 0 : i32
      %sign3A_55 = arith.cmpi slt, %scan3A_45, %sign3A_54 : i32
      %sign3A_56 = arith.extui %sign3A_55 : i1 to i32
      %sign3A_57 = arith.subi %sign3A_53, %sign3A_56 : i32
      %sign3A_58 = arith.constant 0 : i32
      %sign3A_59 = arith.cmpi sgt, %jit3A_49, %sign3A_58 : i32
      %sign3A_60 = arith.extui %sign3A_59 : i1 to i32
      %sign3A_61 = arith.constant 0 : i32
      %sign3A_62 = arith.cmpi slt, %jit3A_49, %sign3A_61 : i32
      %sign3A_63 = arith.extui %sign3A_62 : i1 to i32
      %sign3A_64 = arith.subi %sign3A_60, %sign3A_63 : i32
      %ne3A_65 = arith.cmpi ne, %sign3A_57, %sign3A_64 : i32
      %rem3A_66 = arith.remsi %scan3A_45, %jit3A_49 : i32
      %ne3A_67 = arith.constant 0 : i32
      %ne3A_68 = arith.cmpi ne, %rem3A_66, %ne3A_67 : i32
      %and3A_69 = arith.andi %ne3A_65, %ne3A_68 : i1
      %sub3A_70 = arith.constant 1 : i32
      %sub3A_71 = arith.subi %div3A_50, %sub3A_70 : i32
      %select_n3A_72 = arith.select %and3A_69, %sub3A_71, %div3A_50 : i32
      %mul3A_73 = arith.constant 12 : i32
      %mul3A_74 = arith.muli %select_n3A_72, %mul3A_73 : i32
      %sub3A_75 = arith.subi %mul3A_48, %mul3A_74 : i32
      %get3A = arith.constant 0 : i32
      %get3A_76 = arith.index_cast %get3A : i32 to index
      %get3A_77 = arith.index_cast %sub3A_75 : i32 to index
      %get3A_78 = tpu.vector_load %arg6[%get3A_76, %get3A_77] {strides = array<i32>} : memref<18x196xi32, #tpu.memory_space<vmem>>, vector<16xi32>,
      %get3A_79 = arith.constant 1 : i32
      %get3A_80 = arith.index_cast %get3A_79 : i32 to index
      %get3A_81 = arith.index_cast %sub3A_75 : i32 to index
      %get3A_82 = tpu.vector_load %arg6[%get3A_80, %get3A_81] {strides = array<i32>} : memref<18x196xi32, #tpu.memory_space<vmem>>, vector<16xi32>,
      %get3A_83 = arith.constant 2 : i32
      %get3A_84 = arith.index_cast %get3A_83 : i32 to index
      %get3A_85 = arith.index_cast %sub3A_75 : i32 to index
      %get3A_86 = tpu.vector_load %arg6[%get3A_84, %get3A_85] {strides = array<i32>} : memref<18x196xi32, #tpu.memory_space<vmem>>, vector<16xi32>,
      %get3A_87 = arith.constant 3 : i32
      %get3A_88 = arith.index_cast %get3A_87 : i32 to index
      %get3A_89 = arith.index_cast %sub3A_75 : i32 to index
      %get3A_90 = tpu.vector_load %arg6[%get3A_88, %get3A_89] {strides = array<i32>} : memref<18x196xi32, #tpu.memory_space<vmem>>, vector<16xi32>,
      %get3A_91 = arith.constant 4 : i32
      %get3A_92 = arith.index_cast %get3A_91 : i32 to index
      %get3A_93 = arith.index_cast %sub3A_75 : i32 to index
      %get3A_94 = tpu.vector_load %arg6[%get3A_92, %get3A_93] {strides = array<i32>} : memref<18x196xi32, #tpu.memory_space<vmem>>, vector<16xi32>,
      %get3A_95 = arith.constant 5 : i32
      %get3A_96 = arith.index_cast %get3A_95 : i32 to index
      %get3A_97 = arith.index_cast %sub3A_75 : i32 to index
      %get3A_98 = tpu.vector_load %arg6[%get3A_96, %get3A_97] {strides = array<i32>} : memref<18x196xi32, #tpu.memory_space<vmem>>, vector<16xi32>,
      %get3A_99 = arith.constant 6 : i32
      %get3A_100 = arith.index_cast %get3A_99 : i32 to index
      %get3A_101 = arith.index_cast %sub3A_75 : i32 to index
      %get3A_102 = tpu.vector_load %arg6[%get3A_100, %get3A_101] {strides = array<i32>} : memref<18x196xi32, #tpu.memory_space<vmem>>, vector<16xi32>,
      %get3A_103 = arith.constant 7 : i32
      %get3A_104 = arith.index_cast %get3A_103 : i32 to index
      %get3A_105 = arith.index_cast %sub3A_75 : i32 to index
      %get3A_106 = tpu.vector_load %arg6[%get3A_104, %get3A_105] {strides = array<i32>} : memref<18x196xi32, #tpu.memory_space<vmem>>, vector<16xi32>,
      %get3A_107 = arith.constant 8 : i32
      %get3A_108 = arith.index_cast %get3A_107 : i32 to index
      %get3A_109 = arith.index_cast %sub3A_75 : i32 to index
      %get3A_110 = tpu.vector_load %arg6[%get3A_108, %get3A_109] {strides = array<i32>} : memref<18x196xi32, #tpu.memory_space<vmem>>, vector<16xi32>,
      %get3A_111 = arith.constant 9 : i32
      %get3A_112 = arith.index_cast %get3A_111 : i32 to index
      %get3A_113 = arith.index_cast %sub3A_75 : i32 to index
      %get3A_114 = tpu.vector_load %arg6[%get3A_112, %get3A_113] {strides = array<i32>} : memref<18x196xi32, #tpu.memory_space<vmem>>, vector<16xi32>,
      %get3A_115 = arith.constant 10 : i32
      %get3A_116 = arith.index_cast %get3A_115 : i32 to index
      %get3A_117 = arith.index_cast %sub3A_75 : i32 to index
      %get3A_118 = tpu.vector_load %arg6[%get3A_116, %get3A_117] {strides = array<i32>} : memref<18x196xi32, #tpu.memory_space<vmem>>, vector<16xi32>,
      %get3A_119 = arith.constant 11 : i32
      %get3A_120 = arith.index_cast %get3A_119 : i32 to index
      %get3A_121 = arith.index_cast %sub3A_75 : i32 to index
      %get3A_122 = tpu.vector_load %arg6[%get3A_120, %get3A_121] {strides = array<i32>} : memref<18x196xi32, #tpu.memory_space<vmem>>, vector<16xi32>,
      %get3A_123 = arith.constant 12 : i32
      %get3A_124 = arith.index_cast %get3A_123 : i32 to index
      %get3A_125 = arith.index_cast %sub3A_75 : i32 to index
      %get3A_126 = tpu.vector_load %arg6[%get3A_124, %get3A_125] {strides = array<i32>} : memref<18x196xi32, #tpu.memory_space<vmem>>, vector<16xi32>,
      %get3A_127 = arith.constant 13 : i32
      %get3A_128 = arith.index_cast %get3A_127 : i32 to index
      %get3A_129 = arith.index_cast %sub3A_75 : i32 to index
      %get3A_130 = tpu.vector_load %arg6[%get3A_128, %get3A_129] {strides = array<i32>} : memref<18x196xi32, #tpu.memory_space<vmem>>, vector<16xi32>,
      %get3A_131 = arith.constant 14 : i32
      %get3A_132 = arith.index_cast %get3A_131 : i32 to index
      %get3A_133 = arith.index_cast %sub3A_75 : i32 to index
      %get3A_134 = tpu.vector_load %arg6[%get3A_132, %get3A_133] {strides = array<i32>} : memref<18x196xi32, #tpu.memory_space<vmem>>, vector<16xi32>,
      %get3A_135 = arith.constant 15 : i32
      %get3A_136 = arith.index_cast %get3A_135 : i32 to index
      %get3A_137 = arith.index_cast %sub3A_75 : i32 to index
      %get3A_138 = tpu.vector_load %arg6[%get3A_136, %get3A_137] {strides = array<i32>} : memref<18x196xi32, #tpu.memory_space<vmem>>, vector<16xi32>,
      %get3A_139 = arith.constant 16 : i32
      %get3A_140 = arith.index_cast %get3A_139 : i32 to index
      %get3A_141 = arith.index_cast %sub3A_75 : i32 to index
      %get3A_142 = tpu.vector_load %arg6[%get3A_140, %get3A_141] {strides = array<i32>} : memref<18x196xi32, #tpu.memory_space<vmem>>, vector<16xi32>,
      %get3A_143 = arith.constant 17 : i32
      %get3A_144 = arith.index_cast %get3A_143 : i32 to index
      %get3A_145 = arith.index_cast %sub3A_75 : i32 to index
      %get3A_146 = tpu.vector_load %arg6[%get3A_144, %get3A_145] {strides = array<i32>} : memref<18x196xi32, #tpu.memory_space<vmem>>, vector<16xi32>,
      %scan3A_147 = arith.constant 0 : i32
      %scan3A_148 = arith.constant 0 : i32
      %scan3A_149 = arith.constant 48 : i32
      %scan3A_150 = arith.addi %scan3A_148, %scan3A_149 : i32
      %scan3A_151 = arith.constant 1 : i32
      %scan3A_152 = scf.for %scan3A_155 = %scan3A_148 to %scan3A_150 step %scan3A_151 iter_args(%scan3A_156 = %scan3A_147) -> (i32)  : i32 {
        %mul3A_157 = arith.constant 4 : i32
        %mul3A_158 = arith.muli %scan3A_155, %mul3A_157 : i32
        %add3A_159 = arith.constant 0 : i32
        %add3A_160 = arith.addi %mul3A_158, %add3A_159 : i32
        %broadcast_in_dim3A = vector.broadcast %add3A_160 : i32 to vector<16xi32>
        %add3A_161 = arith.constant 192 : i32
        %add3A_162 = arith.addi %add3A_160, %add3A_161 : i32
        %broadcast_in_dim3A_163 = vector.broadcast %add3A_162 : i32 to vector<16xi32>
        %gather3A = tpu.vector_load_idx %arg5[%broadcast_in_dim3A, %get3A_78] : memref<384x196xf32, #tpu.memory_space<vmem>>[vector<16xi32>, vector<16xi32>], vector<16xf32>,
        %gather3A_164 = tpu.vector_load_idx %arg5[%broadcast_in_dim3A_163, %get3A_114] : memref<384x196xf32, #tpu.memory_space<vmem>>[vector<16xi32>, vector<16xi32>], vector<16xf32>,
        %add3A_165 = arith.addf %gather3A, %gather3A_164 : vector<16xf32>
        %gather3A_166 = tpu.vector_load_idx %arg5[%broadcast_in_dim3A, %get3A_82] : memref<384x196xf32, #tpu.memory_space<vmem>>[vector<16xi32>, vector<16xi32>], vector<16xf32>,
        %gather3A_167 = tpu.vector_load_idx %arg5[%broadcast_in_dim3A_163, %get3A_118] : memref<384x196xf32, #tpu.memory_space<vmem>>[vector<16xi32>, vector<16xi32>], vector<16xf32>,
        %add3A_168 = arith.addf %gather3A_166, %gather3A_167 : vector<16xf32>
        %max3A = arith.maximumf %add3A_165, %add3A_168 : vector<16xf32>
        %gather3A_169 = tpu.vector_load_idx %arg5[%broadcast_in_dim3A, %get3A_86] : memref<384x196xf32, #tpu.memory_space<vmem>>[vector<16xi32>, vector<16xi32>], vector<16xf32>,
        %gather3A_170 = tpu.vector_load_idx %arg5[%broadcast_in_dim3A_163, %get3A_122] : memref<384x196xf32, #tpu.memory_space<vmem>>[vector<16xi32>, vector<16xi32>], vector<16xf32>,
        %add3A_171 = arith.addf %gather3A_169, %gather3A_170 : vector<16xf32>
        %max3A_172 = arith.maximumf %max3A, %add3A_171 : vector<16xf32>
        %gather3A_173 = tpu.vector_load_idx %arg5[%broadcast_in_dim3A, %get3A_90] : memref<384x196xf32, #tpu.memory_space<vmem>>[vector<16xi32>, vector<16xi32>], vector<16xf32>,
        %gather3A_174 = tpu.vector_load_idx %arg5[%broadcast_in_dim3A_163, %get3A_126] : memref<384x196xf32, #tpu.memory_space<vmem>>[vector<16xi32>, vector<16xi32>], vector<16xf32>,
        %add3A_175 = arith.addf %gather3A_173, %gather3A_174 : vector<16xf32>
        %max3A_176 = arith.maximumf %max3A_172, %add3A_175 : vector<16xf32>
        %gather3A_177 = tpu.vector_load_idx %arg5[%broadcast_in_dim3A, %get3A_94] : memref<384x196xf32, #tpu.memory_space<vmem>>[vector<16xi32>, vector<16xi32>], vector<16xf32>,
        %gather3A_178 = tpu.vector_load_idx %arg5[%broadcast_in_dim3A_163, %get3A_130] : memref<384x196xf32, #tpu.memory_space<vmem>>[vector<16xi32>, vector<16xi32>], vector<16xf32>,
        %add3A_179 = arith.addf %gather3A_177, %gather3A_178 : vector<16xf32>
        %max3A_180 = arith.maximumf %max3A_176, %add3A_179 : vector<16xf32>
        %gather3A_181 = tpu.vector_load_idx %arg5[%broadcast_in_dim3A, %get3A_98] : memref<384x196xf32, #tpu.memory_space<vmem>>[vector<16xi32>, vector<16xi32>], vector<16xf32>,
        %gather3A_182 = tpu.vector_load_idx %arg5[%broadcast_in_dim3A_163, %get3A_134] : memref<384x196xf32, #tpu.memory_space<vmem>>[vector<16xi32>, vector<16xi32>], vector<16xf32>,
        %add3A_183 = arith.addf %gather3A_181, %gather3A_182 : vector<16xf32>
        %max3A_184 = arith.maximumf %max3A_180, %add3A_183 : vector<16xf32>
        %gather3A_185 = tpu.vector_load_idx %arg5[%broadcast_in_dim3A, %get3A_102] : memref<384x196xf32, #tpu.memory_space<vmem>>[vector<16xi32>, vector<16xi32>], vector<16xf32>,
        %gather3A_186 = tpu.vector_load_idx %arg5[%broadcast_in_dim3A_163, %get3A_138] : memref<384x196xf32, #tpu.memory_space<vmem>>[vector<16xi32>, vector<16xi32>], vector<16xf32>,
        %add3A_187 = arith.addf %gather3A_185, %gather3A_186 : vector<16xf32>
        %max3A_188 = arith.maximumf %max3A_184, %add3A_187 : vector<16xf32>
        %gather3A_189 = tpu.vector_load_idx %arg5[%broadcast_in_dim3A, %get3A_106] : memref<384x196xf32, #tpu.memory_space<vmem>>[vector<16xi32>, vector<16xi32>], vector<16xf32>,
        %gather3A_190 = tpu.vector_load_idx %arg5[%broadcast_in_dim3A_163, %get3A_142] : memref<384x196xf32, #tpu.memory_space<vmem>>[vector<16xi32>, vector<16xi32>], vector<16xf32>,
        %add3A_191 = arith.addf %gather3A_189, %gather3A_190 : vector<16xf32>
        %max3A_192 = arith.maximumf %max3A_188, %add3A_191 : vector<16xf32>
        %gather3A_193 = tpu.vector_load_idx %arg5[%broadcast_in_dim3A, %get3A_110] : memref<384x196xf32, #tpu.memory_space<vmem>>[vector<16xi32>, vector<16xi32>], vector<16xf32>,
        %gather3A_194 = tpu.vector_load_idx %arg5[%broadcast_in_dim3A_163, %get3A_146] : memref<384x196xf32, #tpu.memory_space<vmem>>[vector<16xi32>, vector<16xi32>], vector<16xf32>,
        %add3A_195 = arith.addf %gather3A_193, %gather3A_194 : vector<16xf32>
        %max3A_196 = arith.maximumf %max3A_192, %add3A_195 : vector<16xf32>
        %max3A_197 = arith.constant 0.000000e+00 : f32
        %max3A_198 = vector.broadcast %max3A_197 : f32 to vector<16xf32>
        %max3A_199 = arith.maximumf %max3A_196, %max3A_198 : vector<16xf32>
        %swap3A = arith.index_cast %add3A_160 : i32 to index
        %swap3A_200 = arith.index_cast %sub3A_75 : i32 to index
        %swap3A_201 = tpu.vector_load %arg7[%swap3A, %swap3A_200] {strides = array<i32>} : memref<192x196xf32, #tpu.memory_space<vmem>>, vector<16xf32>,
        tpu.vector_store %arg7[%swap3A, %swap3A_200], %max3A_199 {strides = array<i32>} : memref<192x196xf32, #tpu.memory_space<vmem>>, vector<16xf32>,
        %mul3A_202 = arith.constant 4 : i32
        %mul3A_203 = arith.muli %scan3A_155, %mul3A_202 : i32
        %add3A_204 = arith.constant 1 : i32
        %add3A_205 = arith.addi %mul3A_203, %add3A_204 : i32
        %broadcast_in_dim3A_206 = vector.broadcast %add3A_205 : i32 to vector<16xi32>
        %add3A_207 = arith.constant 192 : i32
        %add3A_208 = arith.addi %add3A_205, %add3A_207 : i32
        %broadcast_in_dim3A_209 = vector.broadcast %add3A_208 : i32 to vector<16xi32>
        %gather3A_210 = tpu.vector_load_idx %arg5[%broadcast_in_dim3A_206, %get3A_78] : memref<384x196xf32, #tpu.memory_space<vmem>>[vector<16xi32>, vector<16xi32>], vector<16xf32>,
        %gather3A_211 = tpu.vector_load_idx %arg5[%broadcast_in_dim3A_209, %get3A_114] : memref<384x196xf32, #tpu.memory_space<vmem>>[vector<16xi32>, vector<16xi32>], vector<16xf32>,
        %add3A_212 = arith.addf %gather3A_210, %gather3A_211 : vector<16xf32>
        %gather3A_213 = tpu.vector_load_idx %arg5[%broadcast_in_dim3A_206, %get3A_82] : memref<384x196xf32, #tpu.memory_space<vmem>>[vector<16xi32>, vector<16xi32>], vector<16xf32>,
        %gather3A_214 = tpu.vector_load_idx %arg5[%broadcast_in_dim3A_209, %get3A_118] : memref<384x196xf32, #tpu.memory_space<vmem>>[vector<16xi32>, vector<16xi32>], vector<16xf32>,
        %add3A_215 = arith.addf %gather3A_213, %gather3A_214 : vector<16xf32>
        %max3A_216 = arith.maximumf %add3A_212, %add3A_215 : vector<16xf32>
        %gather3A_217 = tpu.vector_load_idx %arg5[%broadcast_in_dim3A_206, %get3A_86] : memref<384x196xf32, #tpu.memory_space<vmem>>[vector<16xi32>, vector<16xi32>], vector<16xf32>,
        %gather3A_218 = tpu.vector_load_idx %arg5[%broadcast_in_dim3A_209, %get3A_122] : memref<384x196xf32, #tpu.memory_space<vmem>>[vector<16xi32>, vector<16xi32>], vector<16xf32>,
        %add3A_219 = arith.addf %gather3A_217, %gather3A_218 : vector<16xf32>
        %max3A_220 = arith.maximumf %max3A_216, %add3A_219 : vector<16xf32>
        %gather3A_221 = tpu.vector_load_idx %arg5[%broadcast_in_dim3A_206, %get3A_90] : memref<384x196xf32, #tpu.memory_space<vmem>>[vector<16xi32>, vector<16xi32>], vector<16xf32>,
        %gather3A_222 = tpu.vector_load_idx %arg5[%broadcast_in_dim3A_209, %get3A_126] : memref<384x196xf32, #tpu.memory_space<vmem>>[vector<16xi32>, vector<16xi32>], vector<16xf32>,
        %add3A_223 = arith.addf %gather3A_221, %gather3A_222 : vector<16xf32>
        %max3A_224 = arith.maximumf %max3A_220, %add3A_223 : vector<16xf32>
        %gather3A_225 = tpu.vector_load_idx %arg5[%broadcast_in_dim3A_206, %get3A_94] : memref<384x196xf32, #tpu.memory_space<vmem>>[vector<16xi32>, vector<16xi32>], vector<16xf32>,
        %gather3A_226 = tpu.vector_load_idx %arg5[%broadcast_in_dim3A_209, %get3A_130] : memref<384x196xf32, #tpu.memory_space<vmem>>[vector<16xi32>, vector<16xi32>], vector<16xf32>,
        %add3A_227 = arith.addf %gather3A_225, %gather3A_226 : vector<16xf32>
        %max3A_228 = arith.maximumf %max3A_224, %add3A_227 : vector<16xf32>
        %gather3A_229 = tpu.vector_load_idx %arg5[%broadcast_in_dim3A_206, %get3A_98] : memref<384x196xf32, #tpu.memory_space<vmem>>[vector<16xi32>, vector<16xi32>], vector<16xf32>,
        %gather3A_230 = tpu.vector_load_idx %arg5[%broadcast_in_dim3A_209, %get3A_134] : memref<384x196xf32, #tpu.memory_space<vmem>>[vector<16xi32>, vector<16xi32>], vector<16xf32>,
        %add3A_231 = arith.addf %gather3A_229, %gather3A_230 : vector<16xf32>
        %max3A_232 = arith.maximumf %max3A_228, %add3A_231 : vector<16xf32>
        %gather3A_233 = tpu.vector_load_idx %arg5[%broadcast_in_dim3A_206, %get3A_102] : memref<384x196xf32, #tpu.memory_space<vmem>>[vector<16xi32>, vector<16xi32>], vector<16xf32>,
        %gather3A_234 = tpu.vector_load_idx %arg5[%broadcast_in_dim3A_209, %get3A_138] : memref<384x196xf32, #tpu.memory_space<vmem>>[vector<16xi32>, vector<16xi32>], vector<16xf32>,
        %add3A_235 = arith.addf %gather3A_233, %gather3A_234 : vector<16xf32>
        %max3A_236 = arith.maximumf %max3A_232, %add3A_235 : vector<16xf32>
        %gather3A_237 = tpu.vector_load_idx %arg5[%broadcast_in_dim3A_206, %get3A_106] : memref<384x196xf32, #tpu.memory_space<vmem>>[vector<16xi32>, vector<16xi32>], vector<16xf32>,
        %gather3A_238 = tpu.vector_load_idx %arg5[%broadcast_in_dim3A_209, %get3A_142] : memref<384x196xf32, #tpu.memory_space<vmem>>[vector<16xi32>, vector<16xi32>], vector<16xf32>,
        %add3A_239 = arith.addf %gather3A_237, %gather3A_238 : vector<16xf32>
        %max3A_240 = arith.maximumf %max3A_236, %add3A_239 : vector<16xf32>
        %gather3A_241 = tpu.vector_load_idx %arg5[%broadcast_in_dim3A_206, %get3A_110] : memref<384x196xf32, #tpu.memory_space<vmem>>[vector<16xi32>, vector<16xi32>], vector<16xf32>,
        %gather3A_242 = tpu.vector_load_idx %arg5[%broadcast_in_dim3A_209, %get3A_146] : memref<384x196xf32, #tpu.memory_space<vmem>>[vector<16xi32>, vector<16xi32>], vector<16xf32>,
        %add3A_243 = arith.addf %gather3A_241, %gather3A_242 : vector<16xf32>
        %max3A_244 = arith.maximumf %max3A_240, %add3A_243 : vector<16xf32>
        %max3A_245 = arith.constant 0.000000e+00 : f32
        %max3A_246 = vector.broadcast %max3A_245 : f32 to vector<16xf32>
        %max3A_247 = arith.maximumf %max3A_244, %max3A_246 : vector<16xf32>
        %swap3A_248 = arith.index_cast %add3A_205 : i32 to index
        %swap3A_249 = arith.index_cast %sub3A_75 : i32 to index
        %swap3A_250 = tpu.vector_load %arg7[%swap3A_248, %swap3A_249] {strides = array<i32>} : memref<192x196xf32, #tpu.memory_space<vmem>>, vector<16xf32>,
        tpu.vector_store %arg7[%swap3A_248, %swap3A_249], %max3A_247 {strides = array<i32>} : memref<192x196xf32, #tpu.memory_space<vmem>>, vector<16xf32>,
        %mul3A_251 = arith.constant 4 : i32
        %mul3A_252 = arith.muli %scan3A_155, %mul3A_251 : i32
        %add3A_253 = arith.constant 2 : i32
        %add3A_254 = arith.addi %mul3A_252, %add3A_253 : i32
        %broadcast_in_dim3A_255 = vector.broadcast %add3A_254 : i32 to vector<16xi32>
        %add3A_256 = arith.constant 192 : i32
        %add3A_257 = arith.addi %add3A_254, %add3A_256 : i32
        %broadcast_in_dim3A_258 = vector.broadcast %add3A_257 : i32 to vector<16xi32>
        %gather3A_259 = tpu.vector_load_idx %arg5[%broadcast_in_dim3A_255, %get3A_78] : memref<384x196xf32, #tpu.memory_space<vmem>>[vector<16xi32>, vector<16xi32>], vector<16xf32>,
        %gather3A_260 = tpu.vector_load_idx %arg5[%broadcast_in_dim3A_258, %get3A_114] : memref<384x196xf32, #tpu.memory_space<vmem>>[vector<16xi32>, vector<16xi32>], vector<16xf32>,
        %add3A_261 = arith.addf %gather3A_259, %gather3A_260 : vector<16xf32>
        %gather3A_262 = tpu.vector_load_idx %arg5[%broadcast_in_dim3A_255, %get3A_82] : memref<384x196xf32, #tpu.memory_space<vmem>>[vector<16xi32>, vector<16xi32>], vector<16xf32>,
        %gather3A_263 = tpu.vector_load_idx %arg5[%broadcast_in_dim3A_258, %get3A_118] : memref<384x196xf32, #tpu.memory_space<vmem>>[vector<16xi32>, vector<16xi32>], vector<16xf32>,
        %add3A_264 = arith.addf %gather3A_262, %gather3A_263 : vector<16xf32>
        %max3A_265 = arith.maximumf %add3A_261, %add3A_264 : vector<16xf32>
        %gather3A_266 = tpu.vector_load_idx %arg5[%broadcast_in_dim3A_255, %get3A_86] : memref<384x196xf32, #tpu.memory_space<vmem>>[vector<16xi32>, vector<16xi32>], vector<16xf32>,
        %gather3A_267 = tpu.vector_load_idx %arg5[%broadcast_in_dim3A_258, %get3A_122] : memref<384x196xf32, #tpu.memory_space<vmem>>[vector<16xi32>, vector<16xi32>], vector<16xf32>,
        %add3A_268 = arith.addf %gather3A_266, %gather3A_267 : vector<16xf32>
        %max3A_269 = arith.maximumf %max3A_265, %add3A_268 : vector<16xf32>
        %gather3A_270 = tpu.vector_load_idx %arg5[%broadcast_in_dim3A_255, %get3A_90] : memref<384x196xf32, #tpu.memory_space<vmem>>[vector<16xi32>, vector<16xi32>], vector<16xf32>,
        %gather3A_271 = tpu.vector_load_idx %arg5[%broadcast_in_dim3A_258, %get3A_126] : memref<384x196xf32, #tpu.memory_space<vmem>>[vector<16xi32>, vector<16xi32>], vector<16xf32>,
        %add3A_272 = arith.addf %gather3A_270, %gather3A_271 : vector<16xf32>
        %max3A_273 = arith.maximumf %max3A_269, %add3A_272 : vector<16xf32>
        %gather3A_274 = tpu.vector_load_idx %arg5[%broadcast_in_dim3A_255, %get3A_94] : memref<384x196xf32, #tpu.memory_space<vmem>>[vector<16xi32>, vector<16xi32>], vector<16xf32>,
        %gather3A_275 = tpu.vector_load_idx %arg5[%broadcast_in_dim3A_258, %get3A_130] : memref<384x196xf32, #tpu.memory_space<vmem>>[vector<16xi32>, vector<16xi32>], vector<16xf32>,
        %add3A_276 = arith.addf %gather3A_274, %gather3A_275 : vector<16xf32>
        %max3A_277 = arith.maximumf %max3A_273, %add3A_276 : vector<16xf32>
        %gather3A_278 = tpu.vector_load_idx %arg5[%broadcast_in_dim3A_255, %get3A_98] : memref<384x196xf32, #tpu.memory_space<vmem>>[vector<16xi32>, vector<16xi32>], vector<16xf32>,
        %gather3A_279 = tpu.vector_load_idx %arg5[%broadcast_in_dim3A_258, %get3A_134] : memref<384x196xf32, #tpu.memory_space<vmem>>[vector<16xi32>, vector<16xi32>], vector<16xf32>,
        %add3A_280 = arith.addf %gather3A_278, %gather3A_279 : vector<16xf32>
        %max3A_281 = arith.maximumf %max3A_277, %add3A_280 : vector<16xf32>
        %gather3A_282 = tpu.vector_load_idx %arg5[%broadcast_in_dim3A_255, %get3A_102] : memref<384x196xf32, #tpu.memory_space<vmem>>[vector<16xi32>, vector<16xi32>], vector<16xf32>,
        %gather3A_283 = tpu.vector_load_idx %arg5[%broadcast_in_dim3A_258, %get3A_138] : memref<384x196xf32, #tpu.memory_space<vmem>>[vector<16xi32>, vector<16xi32>], vector<16xf32>,
        %add3A_284 = arith.addf %gather3A_282, %gather3A_283 : vector<16xf32>
        %max3A_285 = arith.maximumf %max3A_281, %add3A_284 : vector<16xf32>
        %gather3A_286 = tpu.vector_load_idx %arg5[%broadcast_in_dim3A_255, %get3A_106] : memref<384x196xf32, #tpu.memory_space<vmem>>[vector<16xi32>, vector<16xi32>], vector<16xf32>,
        %gather3A_287 = tpu.vector_load_idx %arg5[%broadcast_in_dim3A_258, %get3A_142] : memref<384x196xf32, #tpu.memory_space<vmem>>[vector<16xi32>, vector<16xi32>], vector<16xf32>,
        %add3A_288 = arith.addf %gather3A_286, %gather3A_287 : vector<16xf32>
        %max3A_289 = arith.maximumf %max3A_285, %add3A_288 : vector<16xf32>
        %gather3A_290 = tpu.vector_load_idx %arg5[%broadcast_in_dim3A_255, %get3A_110] : memref<384x196xf32, #tpu.memory_space<vmem>>[vector<16xi32>, vector<16xi32>], vector<16xf32>,
        %gather3A_291 = tpu.vector_load_idx %arg5[%broadcast_in_dim3A_258, %get3A_146] : memref<384x196xf32, #tpu.memory_space<vmem>>[vector<16xi32>, vector<16xi32>], vector<16xf32>,
        %add3A_292 = arith.addf %gather3A_290, %gather3A_291 : vector<16xf32>
        %max3A_293 = arith.maximumf %max3A_289, %add3A_292 : vector<16xf32>
        %max3A_294 = arith.constant 0.000000e+00 : f32
        %max3A_295 = vector.broadcast %max3A_294 : f32 to vector<16xf32>
        %max3A_296 = arith.maximumf %max3A_293, %max3A_295 : vector<16xf32>
        %swap3A_297 = arith.index_cast %add3A_254 : i32 to index
        %swap3A_298 = arith.index_cast %sub3A_75 : i32 to index
        %swap3A_299 = tpu.vector_load %arg7[%swap3A_297, %swap3A_298] {strides = array<i32>} : memref<192x196xf32, #tpu.memory_space<vmem>>, vector<16xf32>,
        tpu.vector_store %arg7[%swap3A_297, %swap3A_298], %max3A_296 {strides = array<i32>} : memref<192x196xf32, #tpu.memory_space<vmem>>, vector<16xf32>,
        %mul3A_300 = arith.constant 4 : i32
        %mul3A_301 = arith.muli %scan3A_155, %mul3A_300 : i32
        %add3A_302 = arith.constant 3 : i32
        %add3A_303 = arith.addi %mul3A_301, %add3A_302 : i32
        %broadcast_in_dim3A_304 = vector.broadcast %add3A_303 : i32 to vector<16xi32>
        %add3A_305 = arith.constant 192 : i32
        %add3A_306 = arith.addi %add3A_303, %add3A_305 : i32
        %broadcast_in_dim3A_307 = vector.broadcast %add3A_306 : i32 to vector<16xi32>
        %gather3A_308 = tpu.vector_load_idx %arg5[%broadcast_in_dim3A_304, %get3A_78] : memref<384x196xf32, #tpu.memory_space<vmem>>[vector<16xi32>, vector<16xi32>], vector<16xf32>,
        %gather3A_309 = tpu.vector_load_idx %arg5[%broadcast_in_dim3A_307, %get3A_114] : memref<384x196xf32, #tpu.memory_space<vmem>>[vector<16xi32>, vector<16xi32>], vector<16xf32>,
        %add3A_310 = arith.addf %gather3A_308, %gather3A_309 : vector<16xf32>
        %gather3A_311 = tpu.vector_load_idx %arg5[%broadcast_in_dim3A_304, %get3A_82] : memref<384x196xf32, #tpu.memory_space<vmem>>[vector<16xi32>, vector<16xi32>], vector<16xf32>,
        %gather3A_312 = tpu.vector_load_idx %arg5[%broadcast_in_dim3A_307, %get3A_118] : memref<384x196xf32, #tpu.memory_space<vmem>>[vector<16xi32>, vector<16xi32>], vector<16xf32>,
        %add3A_313 = arith.addf %gather3A_311, %gather3A_312 : vector<16xf32>
        %max3A_314 = arith.maximumf %add3A_310, %add3A_313 : vector<16xf32>
        %gather3A_315 = tpu.vector_load_idx %arg5[%broadcast_in_dim3A_304, %get3A_86] : memref<384x196xf32, #tpu.memory_space<vmem>>[vector<16xi32>, vector<16xi32>], vector<16xf32>,
        %gather3A_316 = tpu.vector_load_idx %arg5[%broadcast_in_dim3A_307, %get3A_122] : memref<384x196xf32, #tpu.memory_space<vmem>>[vector<16xi32>, vector<16xi32>], vector<16xf32>,
        %add3A_317 = arith.addf %gather3A_315, %gather3A_316 : vector<16xf32>
        %max3A_318 = arith.maximumf %max3A_314, %add3A_317 : vector<16xf32>
        %gather3A_319 = tpu.vector_load_idx %arg5[%broadcast_in_dim3A_304, %get3A_90] : memref<384x196xf32, #tpu.memory_space<vmem>>[vector<16xi32>, vector<16xi32>], vector<16xf32>,
        %gather3A_320 = tpu.vector_load_idx %arg5[%broadcast_in_dim3A_307, %get3A_126] : memref<384x196xf32, #tpu.memory_space<vmem>>[vector<16xi32>, vector<16xi32>], vector<16xf32>,
        %add3A_321 = arith.addf %gather3A_319, %gather3A_320 : vector<16xf32>
        %max3A_322 = arith.maximumf %max3A_318, %add3A_321 : vector<16xf32>
        %gather3A_323 = tpu.vector_load_idx %arg5[%broadcast_in_dim3A_304, %get3A_94] : memref<384x196xf32, #tpu.memory_space<vmem>>[vector<16xi32>, vector<16xi32>], vector<16xf32>,
        %gather3A_324 = tpu.vector_load_idx %arg5[%broadcast_in_dim3A_307, %get3A_130] : memref<384x196xf32, #tpu.memory_space<vmem>>[vector<16xi32>, vector<16xi32>], vector<16xf32>,
        %add3A_325 = arith.addf %gather3A_323, %gather3A_324 : vector<16xf32>
        %max3A_326 = arith.maximumf %max3A_322, %add3A_325 : vector<16xf32>
        %gather3A_327 = tpu.vector_load_idx %arg5[%broadcast_in_dim3A_304, %get3A_98] : memref<384x196xf32, #tpu.memory_space<vmem>>[vector<16xi32>, vector<16xi32>], vector<16xf32>,
        %gather3A_328 = tpu.vector_load_idx %arg5[%broadcast_in_dim3A_307, %get3A_134] : memref<384x196xf32, #tpu.memory_space<vmem>>[vector<16xi32>, vector<16xi32>], vector<16xf32>,
        %add3A_329 = arith.addf %gather3A_327, %gather3A_328 : vector<16xf32>
        %max3A_330 = arith.maximumf %max3A_326, %add3A_329 : vector<16xf32>
        %gather3A_331 = tpu.vector_load_idx %arg5[%broadcast_in_dim3A_304, %get3A_102] : memref<384x196xf32, #tpu.memory_space<vmem>>[vector<16xi32>, vector<16xi32>], vector<16xf32>,
        %gather3A_332 = tpu.vector_load_idx %arg5[%broadcast_in_dim3A_307, %get3A_138] : memref<384x196xf32, #tpu.memory_space<vmem>>[vector<16xi32>, vector<16xi32>], vector<16xf32>,
        %add3A_333 = arith.addf %gather3A_331, %gather3A_332 : vector<16xf32>
        %max3A_334 = arith.maximumf %max3A_330, %add3A_333 : vector<16xf32>
        %gather3A_335 = tpu.vector_load_idx %arg5[%broadcast_in_dim3A_304, %get3A_106] : memref<384x196xf32, #tpu.memory_space<vmem>>[vector<16xi32>, vector<16xi32>], vector<16xf32>,
        %gather3A_336 = tpu.vector_load_idx %arg5[%broadcast_in_dim3A_307, %get3A_142] : memref<384x196xf32, #tpu.memory_space<vmem>>[vector<16xi32>, vector<16xi32>], vector<16xf32>,
        %add3A_337 = arith.addf %gather3A_335, %gather3A_336 : vector<16xf32>
        %max3A_338 = arith.maximumf %max3A_334, %add3A_337 : vector<16xf32>
        %gather3A_339 = tpu.vector_load_idx %arg5[%broadcast_in_dim3A_304, %get3A_110] : memref<384x196xf32, #tpu.memory_space<vmem>>[vector<16xi32>, vector<16xi32>], vector<16xf32>,
        %gather3A_340 = tpu.vector_load_idx %arg5[%broadcast_in_dim3A_307, %get3A_146] : memref<384x196xf32, #tpu.memory_space<vmem>>[vector<16xi32>, vector<16xi32>], vector<16xf32>,
        %add3A_341 = arith.addf %gather3A_339, %gather3A_340 : vector<16xf32>
        %max3A_342 = arith.maximumf %max3A_338, %add3A_341 : vector<16xf32>
        %max3A_343 = arith.constant 0.000000e+00 : f32
        %max3A_344 = vector.broadcast %max3A_343 : f32 to vector<16xf32>
        %max3A_345 = arith.maximumf %max3A_342, %max3A_344 : vector<16xf32>
        %swap3A_346 = arith.index_cast %add3A_303 : i32 to index
        %swap3A_347 = arith.index_cast %sub3A_75 : i32 to index
        %swap3A_348 = tpu.vector_load %arg7[%swap3A_346, %swap3A_347] {strides = array<i32>} : memref<192x196xf32, #tpu.memory_space<vmem>>, vector<16xf32>,
        tpu.vector_store %arg7[%swap3A_346, %swap3A_347], %max3A_345 {strides = array<i32>} : memref<192x196xf32, #tpu.memory_space<vmem>>, vector<16xf32>,
        %scan3A_349 = arith.constant 0 : i32
        scf.yield %scan3A_349 : i32
      }
      %scan3A_153 = arith.constant 48 : i32
      %scan3A_154 = arith.constant 0 : i32
      scf.yield %scan3A_154 : i32
    }
    %scan3A_42 = arith.constant 13 : i32
    %mul3A_43 = arith.constant 192 : i32
    %mul3A_44 = arith.muli %select_n3A_30, %mul3A_43 : i32
    "tpu.region"() ({
      %run_scoped3A = tpu.sem_alloc : memref<!tpu.dma_semaphore, #tpu.memory_space<semaphore_mem>>
      %dma_start3A = arith.constant 0 : i32
      %dma_start3A_45 = tpu.memref_slice %arg4[%select_n3A, %mul3A_44, %dma_start3A] : memref<16x384x196xf32, #tpu.memory_space<hbm>> -> memref<1x192x196xf32, #tpu.memory_space<hbm>>
      %dma_start3A_46 = tpu.memref_squeeze %dma_start3A_45 : memref<1x192x196xf32, #tpu.memory_space<hbm>> -> memref<192x196xf32, #tpu.memory_space<hbm>>
      %dma_start3A_47 = arith.constant 0 : i32
      %dma_start3A_48 = tpu.memref_slice %arg4[%select_n3A, %mul3A_44, %dma_start3A_47] : memref<16x384x196xf32, #tpu.memory_space<hbm>> -> memref<1x192x196xf32, #tpu.memory_space<hbm>>
      %dma_start3A_49 = tpu.memref_squeeze %dma_start3A_48 : memref<1x192x196xf32, #tpu.memory_space<hbm>> -> memref<192x196xf32, #tpu.memory_space<hbm>>
      tpu.enqueue_dma source(%arg7 : memref<192x196xf32, #tpu.memory_space<vmem>>) target(%dma_start3A_49 : memref<192x196xf32, #tpu.memory_space<hbm>>) target_semaphore(%run_scoped3A : memref<!tpu.dma_semaphore, #tpu.memory_space<semaphore_mem>>)
      %dma_wait3A = arith.constant 0 : i32
      %dma_wait3A_50 = tpu.memref_slice %arg4[%select_n3A, %mul3A_44, %dma_wait3A] : memref<16x384x196xf32, #tpu.memory_space<hbm>> -> memref<1x192x196xf32, #tpu.memory_space<hbm>>
      %dma_wait3A_51 = tpu.memref_squeeze %dma_wait3A_50 : memref<1x192x196xf32, #tpu.memory_space<hbm>> -> memref<192x196xf32, #tpu.memory_space<hbm>>
      %dma_wait3A_52 = arith.constant 0 : i32
      %dma_wait3A_53 = tpu.memref_slice %arg4[%select_n3A, %mul3A_44, %dma_wait3A_52] : memref<16x384x196xf32, #tpu.memory_space<hbm>> -> memref<1x192x196xf32, #tpu.memory_space<hbm>>
      %dma_wait3A_54 = tpu.memref_squeeze %dma_wait3A_53 : memref<1x192x196xf32, #tpu.memory_space<hbm>> -> memref<192x196xf32, #tpu.memory_space<hbm>>
      tpu.wait_dma2 semaphore(%run_scoped3A : memref<!tpu.dma_semaphore, #tpu.memory_space<semaphore_mem>>) src(%arg7 : memref<192x196xf32, #tpu.memory_space<vmem>>) dst(%dma_wait3A_54 : memref<192x196xf32, #tpu.memory_space<hbm>>)
      tpu.yield
    }) : () -> ()
    return
  }
}

module attributes {stable_mosaic.version = 14 : i64} {
  func.func @_mm_body(%arg0: i32, %arg1: memref<768x384xf32, #tpu.memory_space<vmem>>, %arg2: memref<1x384x196xf32, #tpu.memory_space<vmem>>, %arg3: memref<768x1xf32, #tpu.memory_space<vmem>>, %arg4: memref<1x768x196xf32, #tpu.memory_space<vmem>>) attributes {dimension_semantics = [#tpu.dimension_semantics<arbitrary>], iteration_bounds = array<i64: 16>, scalar_prefetch = 0 : i64, scratch_operands = 0 : i64, tpu.core_type = #tpu.core_type<tc>, window_params = [{pipeline_mode = #tpu.pipeline_mode<synchronous>, transform_indices = @transform_0, window_bounds = array<i64: 768, 384>}, {transform_indices = @transform_1, window_bounds = array<i64: 1, 384, 196>}, {pipeline_mode = #tpu.pipeline_mode<synchronous>, transform_indices = @transform_2, window_bounds = array<i64: 768, 1>}, {transform_indices = @transform_3, window_bounds = array<i64: 1, 768, 196>}]} {
    %get3A = arith.constant 0 : index
    %get3A_0 = arith.constant 0 : index
    %get3A_1 = vector.load %arg1[%get3A, %get3A_0] : memref<768x384xf32, #tpu.memory_space<vmem>>, vector<768x384xf32>
    %get3A_2 = arith.constant 0 : index
    %get3A_3 = arith.constant 0 : index
    %get3A_4 = arith.constant 0 : index
    %get3A_5 = vector.load %arg2[%get3A_2, %get3A_3, %get3A_4] : memref<1x384x196xf32, #tpu.memory_space<vmem>>, vector<1x384x196xf32>
    %get3A_6 = vector.shape_cast %get3A_5 : vector<1x384x196xf32> to vector<384x196xf32>
    %dot_general3A = arith.constant dense<0.000000e+00> : vector<768x196xf32>
    %dot_general3A_7 = tpu.matmul %get3A_1, %get3A_6, %dot_general3A {dimension_numbers = #tpu.dot_dimension_numbers<[1], [0], [0], [1], [0, 0, 1, 1], [], []>, transpose_lhs_hint = false} : vector<768x384xf32>, vector<384x196xf32>, vector<768x196xf32> -> vector<768x196xf32>
    %get3A_8 = arith.constant 0 : index
    %get3A_9 = arith.constant 0 : index
    %get3A_10 = vector.load %arg3[%get3A_8, %get3A_9] : memref<768x1xf32, #tpu.memory_space<vmem>>, vector<768x1xf32>
    %add3A = vector.broadcast %get3A_10 : vector<768x1xf32> to vector<768x196xf32>
    %add3A_11 = arith.addf %dot_general3A_7, %add3A : vector<768x196xf32>
    %swap3A = arith.constant 0 : index
    %swap3A_12 = arith.constant 0 : index
    %swap3A_13 = arith.constant 0 : index
    %swap3A_14 = vector.load %arg4[%swap3A, %swap3A_12, %swap3A_13] : memref<1x768x196xf32, #tpu.memory_space<vmem>>, vector<1x768x196xf32>
    %swap3A_15 = vector.shape_cast %swap3A_14 : vector<1x768x196xf32> to vector<768x196xf32>
    %swap3A_16 = vector.shape_cast %add3A_11 : vector<768x196xf32> to vector<1x768x196xf32>
    tpu.vector_store %arg4[%swap3A, %swap3A_12, %swap3A_13], %swap3A_16 {strides = array<i32>} : memref<1x768x196xf32, #tpu.memory_space<vmem>>, vector<1x768x196xf32>,
    return
  }
  func.func @transform_0(%arg0: i32) -> (i32, i32) {
    %c0_i32 = arith.constant 0 : i32
    %c0_i32_0 = arith.constant 0 : i32
    %c0_i32_1 = arith.constant 0 : i32
    return %c0_i32, %c0_i32_0 : i32, i32
  }
  func.func @transform_1(%arg0: i32) -> (i32, i32, i32) {
    %c0_i32 = arith.constant 0 : i32
    %c0_i32_0 = arith.constant 0 : i32
    %c0_i32_1 = arith.constant 0 : i32
    return %arg0, %c0_i32, %c0_i32_0 : i32, i32, i32
  }
  func.func @transform_2(%arg0: i32) -> (i32, i32) {
    %c0_i32 = arith.constant 0 : i32
    %c0_i32_0 = arith.constant 0 : i32
    %c0_i32_1 = arith.constant 0 : i32
    return %c0_i32, %c0_i32_0 : i32, i32
  }
  func.func @transform_3(%arg0: i32) -> (i32, i32, i32) {
    %c0_i32 = arith.constant 0 : i32
    %c0_i32_0 = arith.constant 0 : i32
    %c0_i32_1 = arith.constant 0 : i32
    return %arg0, %c0_i32, %c0_i32_0 : i32, i32, i32
  }
}

</mosaic_0001>

<sc_bundles>
// kernel: kernel.4.cloned.1.call-start
scs
__scs_entry_jumppad:
0x0: {  	(pc) =	sbr.rel $0x88, $3  }
0x1: {  	(tag) =	ssettag $0x0;
	lr =	simm.s32 $0x1  }
0x2: {  	[smem:$0x3F9D] =	sst lr;
	_ =	strace $0xD0000000  }
0x3: {  	_ = 	snop  }
0x4: {  	_ = 	snop  }
0x5: {  	_ = 	snop  }
0x6: {  	_ = 	snop  }
0x7: {  	_ = 	snop  }
__scs_overlays_trampoline_lowered:
0x8: {  	[smem:$0x3FAC] =	sst s0  }
0x9: {  	[smem:$0x3FAD] =	sst s1  }
0xa: {  	[smem:$0x3FAE] =	sst s2  }
0xb: {  	[smem:$0x3FAF] =	sst s3  }
0xc: {  	[smem:$0x3FB0] =	sst s4  }
0xd: {  	[smem:$0x3FB1] =	sst s5  }
0xe: {  	[smem:$0x3FB2] =	sst s6  }
0xf: {  	[smem:$0x3FB3] =	sst s7  }
0x10: {  	[smem:$0x3FB4] =	sst s8  }
0x11: {  	[smem:$0x3FB5] =	sst s9;
	s0 =	simm.s32 @!p0 $0x0  }
0x12: {  	s1 =	sld [smem:$0x3F9B];
	s0 =	simm.s32 @p0 $0x1  }
0x13: {  	[smem:$0x3FB6] =	sst s0;
	s0 =	simm.s32 @!p1 $0x0  }
0x14: {  	s2 =	sld [smem:$0x3F9A];
	s0 =	simm.s32 @p1 $0x1  }
0x15: {  	[smem:$0x3FB7] =	sst s0;
	s0 =	simm.s32 @!p2 $0x0  }
0x16: {  	s3 =	sld [smem:$0x3FDB];
	s0 =	simm.s32 @p2 $0x1  }
0x17: {  	s4 =	simm.s32 $0x1BF5;
	[smem:$0x3FB9] =	sst s0  }
0x18: {  	s0 =	sld [smem:$0x3F9C];
	_ =	swait.ge [sflag:s4], $0x0  }
0x19: {  	s7 =	sld [smem:$0x3F9D]  }
0x1a: {  	s8 =	sadd.s32 $0xFFFFE003, lr  }
0x1b: {  	s9 =	sadd.s32 $0xFFFFFEF7, lr;
	s5 =	simm.s32 $0xFFFFFFFF;
	p2 =	slt.u32 s8, $0xFFFFF086  }
0x1c: {  	p1 =	slt.u32 s9, $0xF7A;
	s5 =	simm.s32 @!p2 $0x0  }
0x1d: {  	s5 =	simm.s32 @p1 $0x1;
	p0 =	seq.s32 s7, s2  }
0x1e: {  	s7 =	smul.u32 @!p0 $0xF7A, s2;
	p2 =	seq.s32 @!p0 s5, $0x0  }
0x1f: {  	s9 =	smul.u32 $0xF7A, s1;
	s8 =	simm.s32 @!p0 $0x1BF5;
	p2 =	por !p2, p0  }
0x20: {  	[sflag:s8] =	ssyncset.s32 @!p0 $0xFFFFF086;
	s6 =	sadd.s32 @!p0 s3, s7;
	s7 =	simm.s32 @!p0 $0x108  }
0x21: {  	s3 =	sadd.s32 s3, s9;
	s6 =	sadd.s32 @!p0 $0x88, s6;
	s7 =	simm.s32 @p2 $0x1082  }
0x22: {  	[simem:s7], [sflag:s8] =	dma.local @!p0 [hbm:s6], $0xF7A  }
0x23: {  	s9 =	sor.u32 $0xD0000000, s2;
	s6 =	simm.s32 $0x108;
	_ =	swait.ge @!p0 [sflag:s8], $0x0  }
0x24: {  	s3 =	sadd.s32 $0x88, s3;
	s6 =	simm.s32 @!p1 $0x1082;
	[sflag:s4] =	ssyncset.s32 $0xFFFFF086  }
0x25: {  	[simem:s6], [sflag:s4] =	dma.local [hbm:s3], $0xF7A  }
0x26: {  	[smem:$0x3F9D] =	sst s1;
	(tag) =	ssettag s2;
	_ =	strace s9  }
0x27: {  	s1 =	sld [smem:$0x3FAD]  }
0x28: {  	s2 =	sld [smem:$0x3FAE]  }
0x29: {  	s4 =	sld [smem:$0x3FB0]  }
0x2a: {  	p0 =	seq.s32 s5, $0x0;
	s5 =	sld [smem:$0x3FB1]  }
0x2b: {  	s6 =	sld [smem:$0x3FB2]  }
0x2c: {  	s7 =	sld [smem:$0x3FB3]  }
0x2d: {  	s3 =	simm.s32 $0x108;
	s8 =	sld [smem:$0x3FB4]  }
0x2e: {  	s3 =	simm.s32 @!p0 $0x1082;
	s9 =	sld [smem:$0x3FB5]  }
0x2f: {  	lr =	sadd.s32 s0, s3;
	s0 =	sld [smem:$0x3FAC]  }
0x30: {  	s3 =	sld [smem:$0x3FAF]  }
0x31: {  	[smem:$0x3FB8] =	sst s10  }
0x32: {  	s10 =	sld [smem:$0x3FB6];
	_ =	sdelay $0x3  }
0x33: {  	p0 =	seq.s32 s10, $0x1;
	s10 =	sld [smem:$0x3FB8];
	_ =	sdelay $0x3  }
0x34: {  	[smem:$0x3FB8] =	sst s10  }
0x35: {  	s10 =	sld [smem:$0x3FB7];
	_ =	sdelay $0x3  }
0x36: {  	p1 =	seq.s32 s10, $0x1;
	s10 =	sld [smem:$0x3FB8];
	_ =	sdelay $0x3  }
0x37: {  	[smem:$0x3FB8] =	sst s10  }
0x38: {  	s10 =	sld [smem:$0x3FB9]  }
0x39: {  	_ = 	snop;
	(pc) =	sbr.ind lr, $3  }
0x3a: {  	_ = 	snop  }
0x3b: {  	_ = 	snop  }
0x3c: {  	p2 =	seq.s32 s10, $0x1;
	s10 =	sld [smem:$0x3FB8]  }
0x3d: {  	_ =	shalt  }
0x3e: {  	_ =	shalt  }
0x3f: {  	_ =	shalt  }
0x40: {  	_ =	shalt  }
0x41: {  	_ =	shalt  }
0x42: {  	_ =	shalt  }
0x43: {  	_ =	shalt  }
0x44: {  	_ =	shalt  }
0x45: {  	_ =	shalt  }
0x46: {  	_ =	shalt  }
0x47: {  	_ =	shalt  }
0x48: {  	_ =	shalt  }
0x49: {  	_ =	shalt  }
0x4a: {  	_ =	shalt  }
0x4b: {  	_ =	shalt  }
0x4c: {  	_ =	shalt  }
0x4d: {  	_ =	shalt  }
0x4e: {  	_ =	shalt  }
0x4f: {  	_ =	shalt  }
0x50: {  	_ =	shalt  }
0x51: {  	_ =	shalt  }
0x52: {  	_ =	shalt  }
0x53: {  	_ =	shalt  }
0x54: {  	_ =	shalt  }
0x55: {  	_ =	shalt  }
0x56: {  	_ =	shalt  }
0x57: {  	_ =	shalt  }
0x58: {  	_ =	shalt  }
0x59: {  	_ =	shalt  }
0x5a: {  	_ =	shalt  }
0x5b: {  	_ =	shalt  }
0x5c: {  	_ =	shalt  }
0x5d: {  	_ =	shalt  }
0x5e: {  	_ =	shalt  }
0x5f: {  	_ =	shalt  }
0x60: {  	_ =	shalt  }
0x61: {  	_ =	shalt  }
0x62: {  	_ =	shalt  }
0x63: {  	_ =	shalt  }
0x64: {  	_ =	shalt  }
0x65: {  	_ =	shalt  }
0x66: {  	_ =	shalt  }
0x67: {  	_ =	shalt  }
0x68: {  	_ =	shalt  }
0x69: {  	_ =	shalt  }
0x6a: {  	_ =	shalt  }
0x6b: {  	_ =	shalt  }
0x6c: {  	_ =	shalt  }
0x6d: {  	_ =	shalt  }
0x6e: {  	_ =	shalt  }
0x6f: {  	_ =	shalt  }
0x70: {  	_ =	shalt  }
0x71: {  	_ =	shalt  }
0x72: {  	_ =	shalt  }
0x73: {  	_ =	shalt  }
0x74: {  	_ =	shalt  }
0x75: {  	_ =	shalt  }
0x76: {  	_ =	shalt  }
0x77: {  	_ =	shalt  }
0x78: {  	_ =	shalt  }
0x79: {  	_ =	shalt  }
0x7a: {  	_ =	shalt  }
0x7b: {  	_ =	shalt  }
0x7c: {  	_ =	shalt  }
0x7d: {  	_ =	shalt  }
0x7e: {  	_ =	shalt  }
0x7f: {  	_ =	shalt  }
0x80: {  	_ =	shalt  }
0x81: {  	_ =	shalt  }
0x82: {  	_ =	shalt  }
0x83: {  	_ =	shalt  }
0x84: {  	_ =	shalt  }
0x85: {  	_ =	shalt  }
0x86: {  	_ =	shalt  }
0x87: {  	_ =	shalt  }
.Lfunc_end0:
.L_simem_size_0:
called_computation_lowered:
.L_overlay_start_0:
0x88: {  	s2 =	sld [smem:$0x3FD9]  }
0x89: {  	s3 =	sld [smem:$0x3FFE];
	_ =	sdelay $0x1  }
0x8a: {  	s1 =	srdreg.scid  }
0x8b: {  	s0 =	sand.u32 $0x1, s1  }
0x8c: {  	s17 =	sshll.u32 s0, $0xA;
	s2 =	sadd.s32 s3, s2  }
0x8d: {  	s2 =	sadd.s32 s2, s17  }
0x8e: {  	[smem:$0x3FC4] =	sst s2  }
0x8f: {  	_ = 	snop  }
0x90: {  	s2 =	sld [smem:$0x3FD0];
	(tm) =	ssettm $0x1  }
0x91: {  	s18 =	sld [smem:$0x3FFB];
	_ =	sdelay $0x3  }
0x92: {  	_ =	strace s18  }
0x93: {  	s3 =	sld [smem:$0x3FFC];
	_ =	sdelay $0x3  }
0x94: {  	_ =	strace s3  }
0x95: {  	s3 =	sld [smem:$0x3FFD];
	_ =	sdelay $0x3  }
0x96: {  	_ =	strace s3  }
0x97: {  	_ =	strace $0x8FFFFFFF  }
0x98: {  	s19 =	sld [smem:$0x3FDB];
	_ =	sdelay $0x1  }
0x99: {  	s4 =	simm.s32 $_scs_section_size  }
0x9a: {  	s5 =	simm.s32 $_size__tile_overlayer_lowered;
	s6 =	simm.s32 $_tile_overlayer_lowered  }
0x9b: {  	s22 =	simm.s32 $0x1BFF;
	s21 =	sshll.u32 s6, $0x1;
	s3 =	sadd.s32 s4, s19  }
0x9c: {  	s7 =	simm.s32 $0x0;
	s20 =	sshll.u32 s5, $0x1;
	s5 =	sadd.s32 s21, s3  }
0x9d: {  	[timem:s7], [sflag:s22] =	dma.local [hbm:s5], s20  }
0x9e: {  	_ =	swait.ge [sflag:s22], s20  }
0x9f: {  	s4 =	ssub.s32 $0x0, s20;
	[sflag:s22] =	ssyncset.done $0x0  }
0xa0: {  	[sflag:s22] =	ssyncadd.s32 s4;
	_ =	sdelay $0x1  }
0xa1: {  	s23 =	simm.s32 $0x1B8B  }
0xa2: {  	_ =	swait.ge [sflag:s23], $0x1  }
0xa3: {  	[sflag:s23] =	ssyncset.done $0x0  }
0xa4: {  	s25 =	simm.s32 $0x1B8E;
	s24 =	sld [smem:$0x3FFE];
	[sflag:s23] =	ssyncadd.s32 $0xFFFFFFFF  }
0xa5: {  	s26 =	simm.s32 $execute0_lowered;
	[smem:$0x3FD2] =	sst s25  }
0xa6: {  	s5 =	sshll.u32 s26, $0x1;
	_ =	strace $0x80000046;
	[dreg:$0x1] =	wrdreg $0xFFFFFFFF  }
0xa7: {  	s28 =	simm.s32 $_size_execute0_lowered;
	s3 =	sadd.s32 s3, s5;
	[dreg:$0x0] =	wrdreg $0x0  }
0xa8: {  	s5 =	sshll.u32 s28, $0x1;
	[dreg:$0x2] =	wrdreg s3  }
0xa9: {  	[dreg:$0x3] =	wrdreg s5  }
0xaa: {  	[dreg:$0x4] =	wrdreg $0xC0  }
0xab: {  	_ =	task [dreg:s7], $0x5FFFF  }
0xac: {  	[dreg:$0x1] =	wrdreg $0xFFFFFFFF  }
0xad: {  	[dreg:$0x0] =	wrdreg $0x60  }
0xae: {  	[dreg:$0x2] =	wrdreg s24  }
0xaf: {  	[dreg:$0x3] =	wrdreg s2  }
0xb0: {  	[dreg:$0x4] =	wrdreg $0x9  }
0xb1: {  	_ =	task.clear_ibuf [dreg:s7], $0x5FFFF;
	_ =	strace $0x90000046  }
0xb2: {  	s29 =	simm.s32 $0x9;
	_ =	strace $0x80000048  }
0xb3: {  	_ =	swait.ge [sflag:s29], $0x1  }
0xb4: {  	[sflag:s29] =	ssyncadd.s32 $0xFFFFFFFF  }
0xb5: {  	_ =	strace $0x90000048  }
0xb6: {  	_ =	sfence  }
0xb7: {  	s30 =	sld [smem:$0x0];
	_ =	sdelay $0x2  }
0xb8: {  	s31 =	sshll.u32 s1, $0xD;
	s1 =	sshrl.u32 s1, $0x2  }
0xb9: {  	s3 =	sand.u32 $0x4000, s31;
	s1 =	sadd.s32 s1, s30  }
0xba: {  	s0 =	sor.u32 s3, s0;
	s1 =	sshll.u32 s1, $0x11  }
0xbb: {  	s0 =	sor.u32 s1, s0  }
0xbc: {  	s0 =	sadd.s32 $0x8F2B, s0  }
0xbd: {  	[sflag:s0] =	ssyncadd.remote.s32 $0x1  }
0xbe: {  	_ =	sfence.sel $0xFFFF  }
0xbf: {  	[dreg:$0x0] =	wrdreg $0xFFFFFFFF;
	(pc) =	sbr.abs _section_cstart, $3  }
0xc0: {  	[dreg:$0x1] =	wrdreg $0xFFFFFFFF  }
0xc1: {  	_ =	task.clear_ibuf [dreg:s7], $0x2FFFF;
	_ =	strace $0x9FFFFFFF  }
0xc2: {  	(tm) =	ssettm $0x7FFFFFFF  }
0xc3: {  	_ =	shalt  }
tec
execute0_lowered:
.L_overlay_start_1:
0x0: {  	(tag) =	ssettag $0x1  }
0x1: {  	s1 =	srdreg.scid  }
0x2: {  	s0 =	stileid.u32;
	s5 =	sand.u32 $0x1, s1  }
0x3: {  	s1 =	sor.u32 s5, s0  }
0x4: {  	p1 =	seq.s32 s5, $0x1;
	p0 =	seq.s32 s1, $0x0  }
0x5: {  	s6 =	rddreg [dreg:$0x0];
	p0 =	por !p0, !p1  }
0x6: {  	s3 =	simm.s32 $0x1;
	s7 =	rddreg [dreg:$0x1];
	p0 =	por !p0, !p0  }
0x7: {  	s2 =	simm.s32 $0x0;
	s9 =	simm.s32 $0x9600;
	s3 =	simm.s32 @!p0 $0x0  }
0x8: {  	s4 =	simm.s32 $0x9600;
	[smem:$0x7FF] =	sst s2;
	s8 =	ssub.s32 s0, s3  }
0x9: {  	s10 =	sadd.s32 $0xE00, s6;
	s5 =	ssub.s32 $0x2, s5;
	s3 =	smul.u32 $0x12C00, s8  }
0xa: {  	s1 =	rddreg [dreg:$0x2];
	_ =	strace $0x80000047;
	s12 =	smul.u32 $0x25800, s8  }
0xb: {  	s9 =	simm.s32 @!p1 $0x0;
	s29 =	sshrl.u32 s5, $0x1;
	s8 =	smul.u32 $0xE10, s8  }
0xc: {  	s11 =	sadd.s32 s9, s3;
	s3 =	simm.s32 $0x1;
	s28 =	sadd.s32 s9, s12  }
0xd: {  	s9 =	ssub.s32 s5, s29;
	s8 =	sshrl.u32 s8, $0x3;
	s11 =	sshrl.u32 s11, $0x3  }
0xe: {  	s12 =	sadd.s32 $0x12C00, s28;
	s30 =	sshrl.u32 s28, $0x3;
	s7 =	sadd.s32 s7, s8  }
0xf: {  	s9 =	smax.u32 s9, $0x1;
	s11 =	sadd.s32 s11, s6;
	s31 =	sshrl.u32 s12, $0x3  }
0x10: {  	s5 =	sadd.s32 s10, s30;
	s12 =	simm.s32 $0x0;
	s6 =	sadd.s32 s10, s31  }
0x11: {  	s8 =	sadd.s32 $0x4BE00, s11;
	s10 =	simm.s32 $0x12C00;
	s11 =	simm.s32 $0x13A10  }
.LBB2_1:
0x12: {  	[tilespmem:s2], [sflag:$0x1] =	stream.linear.gather [hbm4b:s5+s2], $0x9600, $0x38;
	[tilespmem:$0x1D010] =	vst v63  }
0x13: {  	_ =	swait.ge [sflag:s3], $0x9600  }
0x14: {  	[sflag:s3] =	ssyncset.done $0x0  }
0x15: {  	[sflag:s3] =	ssyncadd.s32 $0xFFFF6A00  }
0x16: {  	[tilespmem:s4], [sflag:$0x1] =	stream.linear.gather [hbm4b:s6+s2], $0x9600, $0x38;
	[tilespmem:$0x1D010] =	vst v63  }
0x17: {  	_ =	swait.ge [sflag:s3], $0x9600  }
0x18: {  	[sflag:s3] =	ssyncset.done $0x0  }
0x19: {  	[sflag:s3] =	ssyncadd.s32 $0xFFFF6A00  }
0x1a: {  	[tilespmem:s10], [sflag:$0x1] =	stream.linear.gather [hbm4b:s7+s2], $0xE10, $0x38;
	[tilespmem:$0x1D010] =	vst v63  }
0x1b: {  	_ =	swait.ge [sflag:s3], $0xE10  }
0x1c: {  	[sflag:s3] =	ssyncset.done $0x0  }
0x1d: {  	s13 =	simm.s32 $0x0;
	s14 =	simm.s32 $0x0;
	[sflag:s3] =	ssyncadd.s32 $0xFFFFF1F0  }
.LBB2_2:
0x1e: {  	p0 =	seq.s32 s14, $0xC;
	s15 =	simm.s32 $0xFFFFFFF4  }
0x1f: {  	s16 =	sshll.u32 s14, $0x4;
	s15 =	simm.s32 @!p0 $0x0  }
0x20: {  	s16 =	sadd.s32 s16, s15  }
0x21: {  	s17 =	sand.u32 $0x4, s15;
	s16 =	sand.u32 $0xFFFFFFF0, s16  }
0x22: {  	s16 =	sor.u32 s17, s16  }
0x23: {  	v0 =	vld [tilespmem:s16+$0x12C00]  }
0x24: {  	v1 =	vld [tilespmem:s16+$0x12CC8]  }
0x25: {  	v2 =	vld [tilespmem:s16+$0x12D90]  }
0x26: {  	v3 =	vld [tilespmem:s16+$0x12E58]  }
0x27: {  	v4 =	vld [tilespmem:s16+$0x12F20]  }
0x28: {  	v5 =	vld [tilespmem:s16+$0x12FE8]  }
0x29: {  	v6 =	vld [tilespmem:s16+$0x130B0]  }
0x2a: {  	v7 =	vld [tilespmem:s16+$0x13178]  }
0x2b: {  	v8 =	vld [tilespmem:s16+$0x13240]  }
0x2c: {  	v9 =	vld [tilespmem:s16+$0x13308]  }
0x2d: {  	v10 =	vld [tilespmem:s16+$0x133D0]  }
0x2e: {  	v11 =	vld [tilespmem:s16+$0x13498]  }
0x2f: {  	s31 =	sadd.s32 s13, s15;
	v12 =	vld [tilespmem:s16+$0x13560]  }
0x30: {  	s15 =	sshll.u32 s15, $0x2;
	s17 =	sshll.u32 s31, $0x2;
	v13 =	vld [tilespmem:s16+$0x13628]  }
0x31: {  	s15 =	sand.u32 $0x10, s15;
	v14 =	vld [tilespmem:s16+$0x136F0];
	s17 =	sand.u32 $0xFFFFFFC0, s17  }
0x32: {  	v15 =	vld [tilespmem:s16+$0x137B8];
	s15 =	sor.u32 s15, s17  }
0x33: {  	v16 =	vld [tilespmem:s16+$0x13880];
	s15 =	sshra.s32 s15, $0x2  }
0x34: {  	v17 =	vld [tilespmem:s16+$0x13948];
	s16 =	simm.s32 $0x1;
	s15 =	sadd.s32 $0x13BA0, s15  }
.LBB2_3:
0x35: {  	s17 =	sadd.s32 $0xFFFFFFFF, s16  }
0x36: {  	s25 =	sadd.s32 $0xBF, s16;
	v18 =	vmov s17  }
0x37: {  	v19 =	vmov s25;
	v18 =	vmul.u32 $0xC8, v18  }
0x38: {  	v19 =	vmul.u32 $0xC8, v19  }
0x39: {  	v18 =	vbroadcast v18, $0x0  }
0x3a: {  	v19 =	vbroadcast v19, $0x0  }
0x3b: {  	v20 =	vadd.s32 v0, v18  }
0x3c: {  	v21 =	vadd.s32 v9, v19  }
0x3d: {  	v22 =	vadd.s32 v1, v18  }
0x3e: {  	v23 =	vadd.s32 v10, v19  }
0x3f: {  	v24 =	vadd.s32 v2, v18  }
0x40: {  	v25 =	vadd.s32 v11, v19;
	v20 =	vld.idx.msk [tilespmem:v20+s2+$0x0], $0xffff  }
0x41: {  	v26 =	vadd.s32 v3, v18;
	v21 =	vld.idx.msk [tilespmem:v21+s2+$0x0], $0xffff  }
0x42: {  	v27 =	vadd.s32 v12, v19;
	v22 =	vld.idx.msk [tilespmem:v22+s2+$0x0], $0xffff  }
0x43: {  	v28 =	vadd.s32 v4, v18;
	v23 =	vld.idx.msk [tilespmem:v23+s2+$0x0], $0xffff  }
0x44: {  	v29 =	vadd.s32 v13, v19;
	v24 =	vld.idx.msk [tilespmem:v24+s2+$0x0], $0xffff  }
0x45: {  	v30 =	vadd.s32 v5, v18;
	v25 =	vld.idx.msk [tilespmem:v25+s2+$0x0], $0xffff  }
0x46: {  	v31 =	vadd.s32 v14, v19;
	v26 =	vld.idx.msk [tilespmem:v26+s2+$0x0], $0xffff  }
0x47: {  	v32 =	vadd.s32 v6, v18;
	v27 =	vld.idx.msk [tilespmem:v27+s2+$0x0], $0xffff  }
0x48: {  	v33 =	vadd.s32 v15, v19;
	v28 =	vld.idx.msk [tilespmem:v28+s2+$0x0], $0xffff  }
0x49: {  	v34 =	vadd.s32 v7, v18;
	v29 =	vld.idx.msk [tilespmem:v29+s2+$0x0], $0xffff  }
0x4a: {  	v35 =	vadd.s32 v16, v19;
	v30 =	vld.idx.msk [tilespmem:v30+s2+$0x0], $0xffff  }
0x4b: {  	v18 =	vadd.s32 v8, v18;
	v31 =	vld.idx.msk [tilespmem:v31+s2+$0x0], $0xffff  }
0x4c: {  	v19 =	vadd.s32 v17, v19;
	v32 =	vld.idx.msk [tilespmem:v32+s2+$0x0], $0xffff  }
0x4d: {  	v33 =	vld.idx.msk [tilespmem:v33+s2+$0x0], $0xffff  }
0x4e: {  	v53 =	vld.idx.msk [tilespmem:v34+s2+$0x0], $0xffff  }
0x4f: {  	v55 =	vld.idx.msk [tilespmem:v35+s2+$0x0], $0xffff;
	v20 =	vadd.f32 v21, v20;
	v52 =	vadd.f32 v23, v22  }
0x50: {  	v57 =	vmov s16;
	s26 =	sadd.s32 $0xC0, s16;
	v18 =	vld.idx.msk [tilespmem:v18+s2+$0x0], $0xffff;
	v54 =	vadd.f32 v25, v24  }
0x51: {  	v59 =	vmov s26;
	v19 =	vld.idx.msk [tilespmem:v19+s2+$0x0], $0xffff;
	v56 =	vadd.f32 v27, v26;
	v20 =	vmax.f32 v20, v52  }
0x52: {  	v58 =	vadd.f32 v29, v28;
	v23 =	vmul.u32 $0xC8, v57;
	v20 =	vmax.f32 v20, v54  }
0x53: {  	v60 =	vadd.f32 v31, v30;
	v26 =	vmul.u32 $0xC8, v59;
	v20 =	vmax.f32 v20, v56  }
0x54: {  	v61 =	vadd.f32 v33, v32;
	v23 =	vbroadcast v23, $0x0;
	v20 =	vmax.f32 v20, v58  }
0x55: {  	v62 =	vadd.f32 v55, v53;
	v63 =	vbroadcast v26, $0x0;
	v20 =	vmax.f32 v20, v60  }
0x56: {  	v18 =	vadd.f32 v19, v18;
	v19 =	vadd.s32 v0, v23;
	v20 =	vmax.f32 v20, v61  }
0x57: {  	v30 =	vadd.s32 v9, v63;
	v20 =	vmax.f32 v20, v62  }
0x58: {  	v31 =	vadd.s32 v1, v23;
	v18 =	vmax.f32 v20, v18  }
0x59: {  	v32 =	vadd.s32 v10, v63;
	v18 =	vmax.f32 v18, $0.0e+00  }
0x5a: {  	v33 =	vadd.s32 v11, v63;
	[tilespmem:s15+$0xFFFFFE70] =	vst v18  }
0x5b: {  	v34 =	vadd.s32 v3, v23;
	v19 =	vld.idx.msk [tilespmem:v19+s2+$0x0], $0xffff  }
0x5c: {  	v35 =	vadd.s32 v12, v63;
	v21 =	vld.idx.msk [tilespmem:v30+s2+$0x0], $0xffff  }
0x5d: {  	v36 =	vadd.s32 v4, v23;
	v20 =	vld.idx.msk [tilespmem:v31+s2+$0x0], $0xffff  }
0x5e: {  	v37 =	vadd.s32 v13, v63;
	v24 =	vld.idx.msk [tilespmem:v32+s2+$0x0], $0xffff  }
0x5f: {  	v38 =	vadd.s32 v5, v23;
	v25 =	vld.idx.msk [tilespmem:v33+s2+$0x0], $0xffff  }
0x60: {  	v18 =	vadd.s32 v2, v23;
	v26 =	vld.idx.msk [tilespmem:v34+s2+$0x0], $0xffff  }
0x61: {  	v39 =	vadd.s32 v14, v63;
	v27 =	vld.idx.msk [tilespmem:v35+s2+$0x0], $0xffff  }
0x62: {  	v40 =	vadd.s32 v6, v23;
	v28 =	vld.idx.msk [tilespmem:v36+s2+$0x0], $0xffff  }
0x63: {  	v41 =	vadd.s32 v15, v63;
	v29 =	vld.idx.msk [tilespmem:v37+s2+$0x0], $0xffff  }
0x64: {  	v42 =	vadd.s32 v7, v23;
	v30 =	vld.idx.msk [tilespmem:v38+s2+$0x0], $0xffff  }
0x65: {  	v43 =	vadd.s32 v16, v63;
	v18 =	vld.idx.msk [tilespmem:v18+s2+$0x0], $0xffff  }
0x66: {  	v22 =	vadd.s32 v17, v63;
	v31 =	vld.idx.msk [tilespmem:v39+s2+$0x0], $0xffff  }
0x67: {  	v23 =	vadd.s32 v8, v23;
	v32 =	vld.idx.msk [tilespmem:v40+s2+$0x0], $0xffff  }
0x68: {  	v33 =	vld.idx.msk [tilespmem:v41+s2+$0x0], $0xffff  }
0x69: {  	v44 =	vld.idx.msk [tilespmem:v42+s2+$0x0], $0xffff;
	v19 =	vadd.f32 v21, v19;
	v20 =	vadd.f32 v24, v20  }
0x6a: {  	s28 =	sadd.s32 $0x1, s16;
	v45 =	vld.idx.msk [tilespmem:v43+s2+$0x0], $0xffff;
	v18 =	vadd.f32 v25, v18  }
0x6b: {  	v47 =	vmov s28;
	v22 =	vld.idx.msk [tilespmem:v22+s2+$0x0], $0xffff;
	v19 =	vmax.f32 v19, v20  }
0x6c: {  	s29 =	sadd.s32 $0xC1, s16;
	v46 =	vld.idx.msk [tilespmem:v23+s2+$0x0], $0xffff;
	v23 =	vmul.u32 $0xC8, v47;
	v18 =	vmax.f32 v19, v18;
	v19 =	vadd.f32 v27, v26  }
0x6d: {  	v49 =	vmov s29;
	v48 =	vadd.f32 v29, v28  }
0x6e: {  	v23 =	vbroadcast v23, $0x0;
	v18 =	vmax.f32 v18, v19;
	v19 =	vadd.f32 v31, v30  }
0x6f: {  	v50 =	vadd.f32 v33, v32;
	v26 =	vmul.u32 $0xC8, v49;
	v18 =	vmax.f32 v18, v48  }
0x70: {  	v52 =	vadd.s32 v0, v23;
	v18 =	vmax.f32 v18, v19;
	v19 =	vadd.f32 v45, v44  }
0x71: {  	v20 =	vadd.f32 v22, v46;
	v51 =	vbroadcast v26, $0x0;
	v18 =	vmax.f32 v18, v50  }
0x72: {  	v53 =	vadd.s32 v1, v23;
	v18 =	vmax.f32 v18, v19  }
0x73: {  	v54 =	vadd.s32 v10, v51;
	v18 =	vmax.f32 v18, v20  }
0x74: {  	v55 =	vadd.s32 v11, v51;
	v18 =	vmax.f32 v18, $0.0e+00  }
0x75: {  	v56 =	vadd.s32 v3, v23;
	[tilespmem:s15+$0xFFFFFF38] =	vst v18  }
0x76: {  	v57 =	vadd.s32 v12, v51;
	v22 =	vld.idx.msk [tilespmem:v52+s2+$0x0], $0xffff  }
0x77: {  	v58 =	vadd.s32 v4, v23;
	v20 =	vld.idx.msk [tilespmem:v53+s2+$0x0], $0xffff  }
0x78: {  	v59 =	vadd.s32 v13, v51;
	v24 =	vld.idx.msk [tilespmem:v54+s2+$0x0], $0xffff  }
0x79: {  	v60 =	vadd.s32 v5, v23;
	v25 =	vld.idx.msk [tilespmem:v55+s2+$0x0], $0xffff  }
0x7a: {  	v19 =	vadd.s32 v9, v51;
	v26 =	vld.idx.msk [tilespmem:v56+s2+$0x0], $0xffff  }
0x7b: {  	v18 =	vadd.s32 v2, v23;
	v27 =	vld.idx.msk [tilespmem:v57+s2+$0x0], $0xffff  }
0x7c: {  	v61 =	vadd.s32 v14, v51;
	v28 =	vld.idx.msk [tilespmem:v58+s2+$0x0], $0xffff  }
0x7d: {  	v62 =	vadd.s32 v6, v23;
	v29 =	vld.idx.msk [tilespmem:v59+s2+$0x0], $0xffff  }
0x7e: {  	v63 =	vadd.s32 v15, v51;
	v30 =	vld.idx.msk [tilespmem:v60+s2+$0x0], $0xffff  }
0x7f: {  	v36 =	vadd.s32 v7, v23;
	v19 =	vld.idx.msk [tilespmem:v19+s2+$0x0], $0xffff  }
0x80: {  	v37 =	vadd.s32 v16, v51;
	v18 =	vld.idx.msk [tilespmem:v18+s2+$0x0], $0xffff  }
0x81: {  	v21 =	vadd.s32 v17, v51;
	v31 =	vld.idx.msk [tilespmem:v61+s2+$0x0], $0xffff  }
0x82: {  	v23 =	vadd.s32 v8, v23;
	v32 =	vld.idx.msk [tilespmem:v62+s2+$0x0], $0xffff  }
0x83: {  	v33 =	vld.idx.msk [tilespmem:v63+s2+$0x0], $0xffff  }
0x84: {  	v38 =	vld.idx.msk [tilespmem:v36+s2+$0x0], $0xffff;
	v20 =	vadd.f32 v24, v20;
	v19 =	vadd.f32 v19, v22  }
0x85: {  	s30 =	sadd.s32 $0x2, s16;
	v39 =	vld.idx.msk [tilespmem:v37+s2+$0x0], $0xffff;
	v18 =	vadd.f32 v25, v18  }
0x86: {  	v41 =	vmov s30;
	v21 =	vld.idx.msk [tilespmem:v21+s2+$0x0], $0xffff;
	v19 =	vmax.f32 v19, v20  }
0x87: {  	s31 =	sadd.s32 $0xC2, s16;
	v40 =	vld.idx.msk [tilespmem:v23+s2+$0x0], $0xffff;
	v23 =	vmul.u32 $0xC8, v41;
	v18 =	vmax.f32 v19, v18;
	v19 =	vadd.f32 v27, v26  }
0x88: {  	v43 =	vmov s31;
	v42 =	vadd.f32 v29, v28  }
0x89: {  	v23 =	vbroadcast v23, $0x0;
	v18 =	vmax.f32 v18, v19;
	v19 =	vadd.f32 v31, v30  }
0x8a: {  	v44 =	vadd.f32 v33, v32;
	v26 =	vmul.u32 $0xC8, v43;
	v18 =	vmax.f32 v18, v42  }
0x8b: {  	v46 =	vadd.s32 v0, v23;
	v18 =	vmax.f32 v18, v19;
	v19 =	vadd.f32 v39, v38  }
0x8c: {  	v20 =	vadd.f32 v21, v40;
	v45 =	vbroadcast v26, $0x0;
	v18 =	vmax.f32 v18, v44  }
0x8d: {  	v47 =	vadd.s32 v1, v23;
	v18 =	vmax.f32 v18, v19  }
0x8e: {  	v48 =	vadd.s32 v10, v45;
	v18 =	vmax.f32 v18, v20  }
0x8f: {  	v49 =	vadd.s32 v11, v45;
	v18 =	vmax.f32 v18, $0.0e+00  }
0x90: {  	v50 =	vadd.s32 v3, v23;
	[tilespmem:s15+$0x0] =	vst v18  }
0x91: {  	v51 =	vadd.s32 v12, v45;
	v21 =	vld.idx.msk [tilespmem:v46+s2+$0x0], $0xffff  }
0x92: {  	v52 =	vadd.s32 v4, v23;
	v20 =	vld.idx.msk [tilespmem:v47+s2+$0x0], $0xffff  }
0x93: {  	v53 =	vadd.s32 v13, v45;
	v24 =	vld.idx.msk [tilespmem:v48+s2+$0x0], $0xffff  }
0x94: {  	v54 =	vadd.s32 v5, v23;
	v25 =	vld.idx.msk [tilespmem:v49+s2+$0x0], $0xffff  }
0x95: {  	v55 =	vadd.s32 v14, v45;
	v26 =	vld.idx.msk [tilespmem:v50+s2+$0x0], $0xffff  }
0x96: {  	v19 =	vadd.s32 v9, v45;
	v27 =	vld.idx.msk [tilespmem:v51+s2+$0x0], $0xffff  }
0x97: {  	v18 =	vadd.s32 v2, v23;
	v28 =	vld.idx.msk [tilespmem:v52+s2+$0x0], $0xffff  }
0x98: {  	v56 =	vadd.s32 v6, v23;
	v29 =	vld.idx.msk [tilespmem:v53+s2+$0x0], $0xffff  }
0x99: {  	v57 =	vadd.s32 v15, v45;
	v30 =	vld.idx.msk [tilespmem:v54+s2+$0x0], $0xffff  }
0x9a: {  	v58 =	vadd.s32 v7, v23;
	v31 =	vld.idx.msk [tilespmem:v55+s2+$0x0], $0xffff  }
0x9b: {  	v59 =	vadd.s32 v16, v45;
	v19 =	vld.idx.msk [tilespmem:v19+s2+$0x0], $0xffff  }
0x9c: {  	v22 =	vadd.s32 v17, v45;
	v18 =	vld.idx.msk [tilespmem:v18+s2+$0x0], $0xffff  }
0x9d: {  	v23 =	vadd.s32 v8, v23;
	v32 =	vld.idx.msk [tilespmem:v56+s2+$0x0], $0xffff  }
0x9e: {  	v33 =	vld.idx.msk [tilespmem:v57+s2+$0x0], $0xffff  }
0x9f: {  	v34 =	vld.idx.msk [tilespmem:v58+s2+$0x0], $0xffff  }
0xa0: {  	v60 =	vld.idx.msk [tilespmem:v59+s2+$0x0], $0xffff;
	v20 =	vadd.f32 v24, v20;
	v19 =	vadd.f32 v19, v21  }
0xa1: {  	v22 =	vld.idx.msk [tilespmem:v22+s2+$0x0], $0xffff;
	v18 =	vadd.f32 v25, v18  }
0xa2: {  	v23 =	vld.idx.msk [tilespmem:v23+s2+$0x0], $0xffff;
	v61 =	vadd.f32 v27, v26;
	v19 =	vmax.f32 v19, v20  }
0xa3: {  	v18 =	vmax.f32 v19, v18;
	v19 =	vadd.f32 v29, v28  }
0xa4: {  	v62 =	vadd.f32 v31, v30;
	v18 =	vmax.f32 v18, v61  }
0xa5: {  	v18 =	vmax.f32 v18, v19;
	v19 =	vadd.f32 v33, v32  }
0xa6: {  	p0 =	sne.s32 s16, $0xBD;
	v63 =	vadd.f32 v60, v34;
	v18 =	vmax.f32 v18, v62  }
.Ltmp0:
0xa7: {  	v18 =	vmax.f32 v18, v19;
	v19 =	vadd.f32 v22, v23;
	(pc) =	sbr.rel @p0 .LBB2_3-.Ltmp0, $4  }
0xa8: {  	v18 =	vmax.f32 v18, v63  }
0xa9: {  	v18 =	vmax.f32 v18, v19  }
0xaa: {  	v18 =	vmax.f32 v18, $0.0e+00  }
0xab: {  	s16 =	sadd.s32 $0x4, s16;
	[tilespmem:s15+$0xC8] =	vst v18;
	s15 =	sadd.s32 $0x320, s15  }
0xac: {  	s14 =	sadd.s32 $0x1, s14  }
0xad: {  	p0 =	sne.s32 s14, $0xD  }
.Ltmp1:
0xae: {  	_ = 	snop;
	(pc) =	sbr.rel @p0 .LBB2_2-.Ltmp1, $2  }
0xaf: {  	_ =	sdelay $0x2  }
0xb0: {  	s13 =	sadd.s32 $0x10, s13  }
0xb1: {  	s12 =	sadd.s32 $0x1, s12  }
0xb2: {  	p0 =	sne.s32 s12, s9  }
.Ltmp2:
0xb3: {  	_ = 	snop;
	(pc) =	sbr.rel @p0 .LBB2_1-.Ltmp2, $4  }
0xb4: {  	[hbm4b:s8+s2] =	stream.linear.scatter [tilespmem:s11], [sflag:$0x1], $0x9600, $0x38;
	[tilespmem:$0x1D010] =	vst v63  }
0xb5: {  	_ =	swait.ge [sflag:s3], $0x9600  }
0xb6: {  	[sflag:s3] =	ssyncset.done $0x0  }
0xb7: {  	[sflag:s3] =	ssyncadd.s32 $0xFFFF6A00  }
0xb8: {  	_ =	sfence.sel $0x180000  }
0xb9: {  	[bflag:$0x0] =	sbarrier.arrive $0xFFFF  }
0xba: {  	p0 =	sne.s32 s0, $0x0;
	_ =	strace $0x90000047  }
0xbb: {  	s0 =	sadd.s32 @!p0 $0x100000, s1;
	[bflag:$0x2] =	sbarrier.arrive $0xFFFF  }
0xbc: {  	[sflag:s0] =	ssyncadd.tile.s32 @!p0 $0x1;
	_ =	shalt  }
.Lfunc_end2:
_tile_overlayer_lowered:
.L_overlay_start_2:
0xbd: {  	(tag) =	ssettag $0x2  }
0xbe: {  	s0 =	rddreg [dreg:$0x0];
	s2 =	stileid.u32  }
0xbf: {  	s1 =	rddreg [dreg:$0x1];
	p0 =	sne.s32 s2, $0x0  }
0xc0: {  	s3 =	rddreg [dreg:$0x2];
	[bflag:$0x3] =	sbarrier.arrive $0xFFFF;
	s2 =	simm.s32 @!p0 $0x1C01  }
0xc1: {  	[timem:s3], [sflag:s2] =	dma.local @!p0 [hbm:s0], s1  }
0xc2: {  	s0 =	simm.s32 @!p0 $0x1  }
0xc3: {  	_ =	swait.ge @!p0 [sflag:s0], s1  }
0xc4: {  	s1 =	ssub.s32 @!p0 $0x0, s1;
	[sflag:s0] =	ssyncset.done @!p0 $0x0  }
0xc5: {  	[sflag:s0] =	ssyncadd.s32 @!p0 s1  }
0xc6: {  	[bflag:$0x3] =	sbarrier.arrive $0xFFFF  }
0xc7: {  	_ =	shalt  }

</sc_bundles>
